<compile_context>
chip_gen: v7x
topology: tpu7x:2x2x1
jax: 0.10.2.dev20260603
libtpu: 0.0.44.dev20260713+nightly
codegen_flags: <defaults>
</compile_context>

<pallas_src>
import functools

import jax
import jax.numpy as jnp
from jax import lax
from jax.experimental import pallas as pl
from jax.experimental.pallas import tpu as pltpu
from jax.experimental.pallas import tpu_sc as plsc

B = 16384
D0 = 32
D1 = 64
DC = D0 + D1
NC = 2
NS = 16
NW = NC * NS
CHUNK = 128
CPW = B // (NW * CHUNK)
NW_ROWS = CPW * CHUNK

_mesh = plsc.VectorSubcoreMesh(core_axis_name="c", subcore_axis_name="s")


@functools.partial(
    pl.kernel,
    mesh=_mesh,
    out_type=jax.ShapeDtypeStruct((B, DC), jnp.float32),
    scratch_types=[
        pltpu.VMEM((NW_ROWS,), jnp.int32),
        pltpu.VMEM((NW_ROWS, D0), jnp.float32),
        pltpu.VMEM((NW_ROWS, D1), jnp.float32),
        pltpu.SemaphoreType.DMA,
        pltpu.SemaphoreType.DMA,
        pltpu.SemaphoreType.DMA,
    ],
    compiler_params=pltpu.CompilerParams(use_tc_tiling_on_sc=False),
)
def _pair_gather(t0, t1, ids, out, idx_v, v0, v1, s_0, s_1, s_w):
    wid = lax.axis_index("s") * NC + lax.axis_index("c")
    base = wid * NW_ROWS
    pltpu.sync_copy(ids.at[pl.ds(base, NW_ROWS)], idx_v)
    gathers = []
    for c in range(CPW):
        isl = pl.ds(c * CHUNK, CHUNK)
        rows = pl.ds(c * CHUNK, CHUNK)
        gathers.append((
            pltpu.async_copy(t0.at[idx_v.at[isl]], v0.at[rows], s_0),
            pltpu.async_copy(t1.at[idx_v.at[isl]], v1.at[rows], s_1),
        ))
    for c in range(CPW):
        gathers[c][0].wait()
    w0 = pltpu.async_copy(v0, out.at[pl.ds(base, NW_ROWS), pl.ds(0, D0)], s_w)
    for c in range(CPW):
        gathers[c][1].wait()
    w1 = pltpu.async_copy(v1, out.at[pl.ds(base, NW_ROWS), pl.ds(D0, D1)], s_w)
    w0.wait()
    w1.wait()


def kernel(item_table0, user_table0, item_table1, user_table1, item_ids, user_ids):
    item_out = _pair_gather(item_table0, item_table1, item_ids)
    user_out = _pair_gather(user_table0, user_table1, user_ids)
    return item_out, user_out

# --- scband reference (transcript-rebuilt; emitter-appended) ---
"""Pipeline reference for scband-mixed-embeddings-51891794870854 (READ-ONLY COPY).

The authoritative reference and input builder live on the scoring server;
editing this copy changes nothing except your own understanding.
"""

import jax, jax.numpy as jnp
import numpy as np

BATCH = 16384
VOCAB = 100000
DIMS = [32, 64]

def setup_inputs(seed: int = 0) -> dict:
    key = jax.random.key(seed)
    k_items, k_users, k_it0, k_ut0, k_it1, k_ut1 = jax.random.split(key, 6)
    item_ids = jax.random.randint(k_items, (BATCH,), 0, VOCAB, dtype=jnp.int64 if jax.config.jax_enable_x64 else jnp.int32).astype(jnp.int32)
    user_ids = jax.random.randint(k_users, (BATCH,), 0, VOCAB, dtype=jnp.int64 if jax.config.jax_enable_x64 else jnp.int32).astype(jnp.int32)
    item_table0 = jax.random.normal(k_it0, (VOCAB, DIMS[0]), dtype=jnp.float32) * 0.02
    user_table0 = jax.random.normal(k_ut0, (VOCAB, DIMS[0]), dtype=jnp.float32) * 0.02
    item_table1 = jax.random.normal(k_it1, (VOCAB, DIMS[1]), dtype=jnp.float32) * 0.02
    user_table1 = jax.random.normal(k_ut1, (VOCAB, DIMS[1]), dtype=jnp.float32) * 0.02
    return {
        "item_table0": item_table0,
        "user_table0": user_table0,
        "item_table1": item_table1,
        "user_table1": user_table1,
        "item_ids": item_ids,
        "user_ids": user_ids,
    }

def reference(item_table0, user_table0, item_table1, user_table1, item_ids, user_ids):
    # MixedEmbeddings.forward: each sub-module maps batch -> (item_emb, user_emb);
    # results are concatenated along the last axis.
    item_embeddings = []
    user_embeddings = []
    for it_tab, ut_tab in ((item_table0, user_table0), (item_table1, user_table1)):
        items = jnp.take(it_tab, item_ids, axis=0)
        users = jnp.take(ut_tab, user_ids, axis=0)
        item_embeddings.append(items)
        user_embeddings.append(users)
    return (jnp.concatenate(item_embeddings, axis=-1), jnp.concatenate(user_embeddings, axis=-1))

if __name__ == "__main__":
    import jax
    _d = setup_inputs()
    print(jax.jit(kernel)(*tuple(_d.values())))

</pallas_src>

<mosaic_0001>
#map = affine_map<(d0, d1) -> (0, 0)>
#map1 = affine_map<(d0, d1) -> (0)>
module attributes {stable_mosaic.version = 14 : i64} {
  func.func @_pair_gather(%arg0: i32, %arg1: i32, %arg2: memref<100000x32xf32, #tpu.memory_space<hbm>>, %arg3: memref<100000x64xf32, #tpu.memory_space<hbm>>, %arg4: memref<16384xi32, #tpu.memory_space<hbm>>, %arg5: memref<16384x96xf32, #tpu.memory_space<hbm>>, %arg6: memref<512xi32, #tpu.memory_space<vmem>>, %arg7: memref<512x32xf32, #tpu.memory_space<vmem>>, %arg8: memref<512x64xf32, #tpu.memory_space<vmem>>, %arg9: memref<!tpu.dma_semaphore, #tpu.memory_space<semaphore_mem>>, %arg10: memref<!tpu.dma_semaphore, #tpu.memory_space<semaphore_mem>>, %arg11: memref<!tpu.dma_semaphore, #tpu.memory_space<semaphore_mem>>) attributes {dimension_semantics = [#tpu.dimension_semantics<core_parallel>, #tpu.dimension_semantics<subcore_parallel>], iteration_bounds = array<i64: 2, 16>, scalar_prefetch = 0 : i64, scratch_operands = 6 : i64, tpu.core_type = #tpu.core_type<sc_vector_subcore>, window_params = [{transform_indices = #map}, {transform_indices = #map}, {transform_indices = #map1}, {transform_indices = #map}]} {
    %mul3A = arith.constant 2 : i32
    %mul3A_0 = arith.muli %arg1, %mul3A : i32
    %add3A = arith.addi %mul3A_0, %arg0 : i32
    %mul3A_1 = arith.constant 512 : i32
    %mul3A_2 = arith.muli %add3A, %mul3A_1 : i32
    "tpu.region"() ({
      %run_scoped3A = tpu.sem_alloc : memref<!tpu.dma_semaphore, #tpu.memory_space<semaphore_mem>>
      %dma_start3A_145 = tpu.memref_slice %arg4[%mul3A_2] : memref<16384xi32, #tpu.memory_space<hbm>> -> memref<512xi32, #tpu.memory_space<hbm>>
      %dma_start3A_146 = tpu.memref_slice %arg4[%mul3A_2] : memref<16384xi32, #tpu.memory_space<hbm>> -> memref<512xi32, #tpu.memory_space<hbm>>
      tpu.enqueue_dma source(%dma_start3A_146 : memref<512xi32, #tpu.memory_space<hbm>>) target(%arg6 : memref<512xi32, #tpu.memory_space<vmem>>) target_semaphore(%run_scoped3A : memref<!tpu.dma_semaphore, #tpu.memory_space<semaphore_mem>>)
      %dma_wait3A_147 = tpu.memref_slice %arg4[%mul3A_2] : memref<16384xi32, #tpu.memory_space<hbm>> -> memref<512xi32, #tpu.memory_space<hbm>>
      %dma_wait3A_148 = tpu.memref_slice %arg4[%mul3A_2] : memref<16384xi32, #tpu.memory_space<hbm>> -> memref<512xi32, #tpu.memory_space<hbm>>
      tpu.wait_dma2 semaphore(%run_scoped3A : memref<!tpu.dma_semaphore, #tpu.memory_space<semaphore_mem>>) src(%dma_wait3A_148 : memref<512xi32, #tpu.memory_space<hbm>>) dst(%arg6 : memref<512xi32, #tpu.memory_space<vmem>>)
      tpu.yield
    }) : () -> ()
    %dma_start3A = arith.constant 0 : i32
    %dma_start3A_3 = arith.constant 0 : i32
    %dma_start3A_4 = tpu.memref_slice %arg7[%dma_start3A, %dma_start3A_3] : memref<512x32xf32, #tpu.memory_space<vmem>> -> memref<128x32xf32, #tpu.memory_space<vmem>>
    %dma_start3A_5 = arith.constant 0 : i32
    %dma_start3A_6 = tpu.memref_slice %arg6[%dma_start3A_5] : memref<512xi32, #tpu.memory_space<vmem>> -> memref<128xi32, #tpu.memory_space<vmem>>
    %dma_start3A_7 = arith.constant 0 : i32
    %dma_start3A_8 = arith.constant 0 : i32
    %dma_start3A_9 = tpu.memref_slice %arg2[%dma_start3A_7, %dma_start3A_8] : memref<100000x32xf32, #tpu.memory_space<hbm>> -> memref<100000x32xf32, #tpu.memory_space<hbm>>
    tpu.enqueue_indirect_dma source(%dma_start3A_9 : memref<100000x32xf32, #tpu.memory_space<hbm>>) target(%dma_start3A_4 : memref<128x32xf32, #tpu.memory_space<vmem>>) offsets(%dma_start3A_6 : memref<128xi32, #tpu.memory_space<vmem>>) semaphore(%arg9 : memref<!tpu.dma_semaphore, #tpu.memory_space<semaphore_mem>>)
    %dma_start3A_10 = arith.constant 0 : i32
    %dma_start3A_11 = arith.constant 0 : i32
    %dma_start3A_12 = tpu.memref_slice %arg8[%dma_start3A_10, %dma_start3A_11] : memref<512x64xf32, #tpu.memory_space<vmem>> -> memref<128x64xf32, #tpu.memory_space<vmem>>
    %dma_start3A_13 = arith.constant 0 : i32
    %dma_start3A_14 = tpu.memref_slice %arg6[%dma_start3A_13] : memref<512xi32, #tpu.memory_space<vmem>> -> memref<128xi32, #tpu.memory_space<vmem>>
    %dma_start3A_15 = arith.constant 0 : i32
    %dma_start3A_16 = arith.constant 0 : i32
    %dma_start3A_17 = tpu.memref_slice %arg3[%dma_start3A_15, %dma_start3A_16] : memref<100000x64xf32, #tpu.memory_space<hbm>> -> memref<100000x64xf32, #tpu.memory_space<hbm>>
    tpu.enqueue_indirect_dma source(%dma_start3A_17 : memref<100000x64xf32, #tpu.memory_space<hbm>>) target(%dma_start3A_12 : memref<128x64xf32, #tpu.memory_space<vmem>>) offsets(%dma_start3A_14 : memref<128xi32, #tpu.memory_space<vmem>>) semaphore(%arg10 : memref<!tpu.dma_semaphore, #tpu.memory_space<semaphore_mem>>)
    %dma_start3A_18 = arith.constant 128 : i32
    %dma_start3A_19 = arith.constant 0 : i32
    %dma_start3A_20 = tpu.memref_slice %arg7[%dma_start3A_18, %dma_start3A_19] : memref<512x32xf32, #tpu.memory_space<vmem>> -> memref<128x32xf32, #tpu.memory_space<vmem>>
    %dma_start3A_21 = arith.constant 128 : i32
    %dma_start3A_22 = tpu.memref_slice %arg6[%dma_start3A_21] : memref<512xi32, #tpu.memory_space<vmem>> -> memref<128xi32, #tpu.memory_space<vmem>>
    %dma_start3A_23 = arith.constant 0 : i32
    %dma_start3A_24 = arith.constant 0 : i32
    %dma_start3A_25 = tpu.memref_slice %arg2[%dma_start3A_23, %dma_start3A_24] : memref<100000x32xf32, #tpu.memory_space<hbm>> -> memref<100000x32xf32, #tpu.memory_space<hbm>>
    tpu.enqueue_indirect_dma source(%dma_start3A_25 : memref<100000x32xf32, #tpu.memory_space<hbm>>) target(%dma_start3A_20 : memref<128x32xf32, #tpu.memory_space<vmem>>) offsets(%dma_start3A_22 : memref<128xi32, #tpu.memory_space<vmem>>) semaphore(%arg9 : memref<!tpu.dma_semaphore, #tpu.memory_space<semaphore_mem>>)
    %dma_start3A_26 = arith.constant 128 : i32
    %dma_start3A_27 = arith.constant 0 : i32
    %dma_start3A_28 = tpu.memref_slice %arg8[%dma_start3A_26, %dma_start3A_27] : memref<512x64xf32, #tpu.memory_space<vmem>> -> memref<128x64xf32, #tpu.memory_space<vmem>>
    %dma_start3A_29 = arith.constant 128 : i32
    %dma_start3A_30 = tpu.memref_slice %arg6[%dma_start3A_29] : memref<512xi32, #tpu.memory_space<vmem>> -> memref<128xi32, #tpu.memory_space<vmem>>
    %dma_start3A_31 = arith.constant 0 : i32
    %dma_start3A_32 = arith.constant 0 : i32
    %dma_start3A_33 = tpu.memref_slice %arg3[%dma_start3A_31, %dma_start3A_32] : memref<100000x64xf32, #tpu.memory_space<hbm>> -> memref<100000x64xf32, #tpu.memory_space<hbm>>
    tpu.enqueue_indirect_dma source(%dma_start3A_33 : memref<100000x64xf32, #tpu.memory_space<hbm>>) target(%dma_start3A_28 : memref<128x64xf32, #tpu.memory_space<vmem>>) offsets(%dma_start3A_30 : memref<128xi32, #tpu.memory_space<vmem>>) semaphore(%arg10 : memref<!tpu.dma_semaphore, #tpu.memory_space<semaphore_mem>>)
    %dma_start3A_34 = arith.constant 256 : i32
    %dma_start3A_35 = arith.constant 0 : i32
    %dma_start3A_36 = tpu.memref_slice %arg7[%dma_start3A_34, %dma_start3A_35] : memref<512x32xf32, #tpu.memory_space<vmem>> -> memref<128x32xf32, #tpu.memory_space<vmem>>
    %dma_start3A_37 = arith.constant 256 : i32
    %dma_start3A_38 = tpu.memref_slice %arg6[%dma_start3A_37] : memref<512xi32, #tpu.memory_space<vmem>> -> memref<128xi32, #tpu.memory_space<vmem>>
    %dma_start3A_39 = arith.constant 0 : i32
    %dma_start3A_40 = arith.constant 0 : i32
    %dma_start3A_41 = tpu.memref_slice %arg2[%dma_start3A_39, %dma_start3A_40] : memref<100000x32xf32, #tpu.memory_space<hbm>> -> memref<100000x32xf32, #tpu.memory_space<hbm>>
    tpu.enqueue_indirect_dma source(%dma_start3A_41 : memref<100000x32xf32, #tpu.memory_space<hbm>>) target(%dma_start3A_36 : memref<128x32xf32, #tpu.memory_space<vmem>>) offsets(%dma_start3A_38 : memref<128xi32, #tpu.memory_space<vmem>>) semaphore(%arg9 : memref<!tpu.dma_semaphore, #tpu.memory_space<semaphore_mem>>)
    %dma_start3A_42 = arith.constant 256 : i32
    %dma_start3A_43 = arith.constant 0 : i32
    %dma_start3A_44 = tpu.memref_slice %arg8[%dma_start3A_42, %dma_start3A_43] : memref<512x64xf32, #tpu.memory_space<vmem>> -> memref<128x64xf32, #tpu.memory_space<vmem>>
    %dma_start3A_45 = arith.constant 256 : i32
    %dma_start3A_46 = tpu.memref_slice %arg6[%dma_start3A_45] : memref<512xi32, #tpu.memory_space<vmem>> -> memref<128xi32, #tpu.memory_space<vmem>>
    %dma_start3A_47 = arith.constant 0 : i32
    %dma_start3A_48 = arith.constant 0 : i32
    %dma_start3A_49 = tpu.memref_slice %arg3[%dma_start3A_47, %dma_start3A_48] : memref<100000x64xf32, #tpu.memory_space<hbm>> -> memref<100000x64xf32, #tpu.memory_space<hbm>>
    tpu.enqueue_indirect_dma source(%dma_start3A_49 : memref<100000x64xf32, #tpu.memory_space<hbm>>) target(%dma_start3A_44 : memref<128x64xf32, #tpu.memory_space<vmem>>) offsets(%dma_start3A_46 : memref<128xi32, #tpu.memory_space<vmem>>) semaphore(%arg10 : memref<!tpu.dma_semaphore, #tpu.memory_space<semaphore_mem>>)
    %dma_start3A_50 = arith.constant 384 : i32
    %dma_start3A_51 = arith.constant 0 : i32
    %dma_start3A_52 = tpu.memref_slice %arg7[%dma_start3A_50, %dma_start3A_51] : memref<512x32xf32, #tpu.memory_space<vmem>> -> memref<128x32xf32, #tpu.memory_space<vmem>>
    %dma_start3A_53 = arith.constant 384 : i32
    %dma_start3A_54 = tpu.memref_slice %arg6[%dma_start3A_53] : memref<512xi32, #tpu.memory_space<vmem>> -> memref<128xi32, #tpu.memory_space<vmem>>
    %dma_start3A_55 = arith.constant 0 : i32
    %dma_start3A_56 = arith.constant 0 : i32
    %dma_start3A_57 = tpu.memref_slice %arg2[%dma_start3A_55, %dma_start3A_56] : memref<100000x32xf32, #tpu.memory_space<hbm>> -> memref<100000x32xf32, #tpu.memory_space<hbm>>
    tpu.enqueue_indirect_dma source(%dma_start3A_57 : memref<100000x32xf32, #tpu.memory_space<hbm>>) target(%dma_start3A_52 : memref<128x32xf32, #tpu.memory_space<vmem>>) offsets(%dma_start3A_54 : memref<128xi32, #tpu.memory_space<vmem>>) semaphore(%arg9 : memref<!tpu.dma_semaphore, #tpu.memory_space<semaphore_mem>>)
    %dma_start3A_58 = arith.constant 384 : i32
    %dma_start3A_59 = arith.constant 0 : i32
    %dma_start3A_60 = tpu.memref_slice %arg8[%dma_start3A_58, %dma_start3A_59] : memref<512x64xf32, #tpu.memory_space<vmem>> -> memref<128x64xf32, #tpu.memory_space<vmem>>
    %dma_start3A_61 = arith.constant 384 : i32
    %dma_start3A_62 = tpu.memref_slice %arg6[%dma_start3A_61] : memref<512xi32, #tpu.memory_space<vmem>> -> memref<128xi32, #tpu.memory_space<vmem>>
    %dma_start3A_63 = arith.constant 0 : i32
    %dma_start3A_64 = arith.constant 0 : i32
    %dma_start3A_65 = tpu.memref_slice %arg3[%dma_start3A_63, %dma_start3A_64] : memref<100000x64xf32, #tpu.memory_space<hbm>> -> memref<100000x64xf32, #tpu.memory_space<hbm>>
    tpu.enqueue_indirect_dma source(%dma_start3A_65 : memref<100000x64xf32, #tpu.memory_space<hbm>>) target(%dma_start3A_60 : memref<128x64xf32, #tpu.memory_space<vmem>>) offsets(%dma_start3A_62 : memref<128xi32, #tpu.memory_space<vmem>>) semaphore(%arg10 : memref<!tpu.dma_semaphore, #tpu.memory_space<semaphore_mem>>)
    %dma_wait3A = arith.constant 0 : i32
    %dma_wait3A_66 = arith.constant 0 : i32
    %dma_wait3A_67 = tpu.memref_slice %arg7[%dma_wait3A, %dma_wait3A_66] : memref<512x32xf32, #tpu.memory_space<vmem>> -> memref<128x32xf32, #tpu.memory_space<vmem>>
    %dma_wait3A_68 = arith.constant 0 : i32
    %dma_wait3A_69 = tpu.memref_slice %arg6[%dma_wait3A_68] : memref<512xi32, #tpu.memory_space<vmem>> -> memref<128xi32, #tpu.memory_space<vmem>>
    %dma_wait3A_70 = arith.constant 0 : i32
    %dma_wait3A_71 = arith.constant 0 : i32
    %dma_wait3A_72 = tpu.memref_slice %arg2[%dma_wait3A_70, %dma_wait3A_71] : memref<100000x32xf32, #tpu.memory_space<hbm>> -> memref<100000x32xf32, #tpu.memory_space<hbm>>
    tpu.wait_indirect_dma semaphore(%arg9 : memref<!tpu.dma_semaphore, #tpu.memory_space<semaphore_mem>>) src(%dma_wait3A_72 : memref<100000x32xf32, #tpu.memory_space<hbm>>) dst(%dma_wait3A_67 : memref<128x32xf32, #tpu.memory_space<vmem>>)
    %dma_wait3A_73 = arith.constant 128 : i32
    %dma_wait3A_74 = arith.constant 0 : i32
    %dma_wait3A_75 = tpu.memref_slice %arg7[%dma_wait3A_73, %dma_wait3A_74] : memref<512x32xf32, #tpu.memory_space<vmem>> -> memref<128x32xf32, #tpu.memory_space<vmem>>
    %dma_wait3A_76 = arith.constant 128 : i32
    %dma_wait3A_77 = tpu.memref_slice %arg6[%dma_wait3A_76] : memref<512xi32, #tpu.memory_space<vmem>> -> memref<128xi32, #tpu.memory_space<vmem>>
    %dma_wait3A_78 = arith.constant 0 : i32
    %dma_wait3A_79 = arith.constant 0 : i32
    %dma_wait3A_80 = tpu.memref_slice %arg2[%dma_wait3A_78, %dma_wait3A_79] : memref<100000x32xf32, #tpu.memory_space<hbm>> -> memref<100000x32xf32, #tpu.memory_space<hbm>>
    tpu.wait_indirect_dma semaphore(%arg9 : memref<!tpu.dma_semaphore, #tpu.memory_space<semaphore_mem>>) src(%dma_wait3A_80 : memref<100000x32xf32, #tpu.memory_space<hbm>>) dst(%dma_wait3A_75 : memref<128x32xf32, #tpu.memory_space<vmem>>)
    %dma_wait3A_81 = arith.constant 256 : i32
    %dma_wait3A_82 = arith.constant 0 : i32
    %dma_wait3A_83 = tpu.memref_slice %arg7[%dma_wait3A_81, %dma_wait3A_82] : memref<512x32xf32, #tpu.memory_space<vmem>> -> memref<128x32xf32, #tpu.memory_space<vmem>>
    %dma_wait3A_84 = arith.constant 256 : i32
    %dma_wait3A_85 = tpu.memref_slice %arg6[%dma_wait3A_84] : memref<512xi32, #tpu.memory_space<vmem>> -> memref<128xi32, #tpu.memory_space<vmem>>
    %dma_wait3A_86 = arith.constant 0 : i32
    %dma_wait3A_87 = arith.constant 0 : i32
    %dma_wait3A_88 = tpu.memref_slice %arg2[%dma_wait3A_86, %dma_wait3A_87] : memref<100000x32xf32, #tpu.memory_space<hbm>> -> memref<100000x32xf32, #tpu.memory_space<hbm>>
    tpu.wait_indirect_dma semaphore(%arg9 : memref<!tpu.dma_semaphore, #tpu.memory_space<semaphore_mem>>) src(%dma_wait3A_88 : memref<100000x32xf32, #tpu.memory_space<hbm>>) dst(%dma_wait3A_83 : memref<128x32xf32, #tpu.memory_space<vmem>>)
    %dma_wait3A_89 = arith.constant 384 : i32
    %dma_wait3A_90 = arith.constant 0 : i32
    %dma_wait3A_91 = tpu.memref_slice %arg7[%dma_wait3A_89, %dma_wait3A_90] : memref<512x32xf32, #tpu.memory_space<vmem>> -> memref<128x32xf32, #tpu.memory_space<vmem>>
    %dma_wait3A_92 = arith.constant 384 : i32
    %dma_wait3A_93 = tpu.memref_slice %arg6[%dma_wait3A_92] : memref<512xi32, #tpu.memory_space<vmem>> -> memref<128xi32, #tpu.memory_space<vmem>>
    %dma_wait3A_94 = arith.constant 0 : i32
    %dma_wait3A_95 = arith.constant 0 : i32
    %dma_wait3A_96 = tpu.memref_slice %arg2[%dma_wait3A_94, %dma_wait3A_95] : memref<100000x32xf32, #tpu.memory_space<hbm>> -> memref<100000x32xf32, #tpu.memory_space<hbm>>
    tpu.wait_indirect_dma semaphore(%arg9 : memref<!tpu.dma_semaphore, #tpu.memory_space<semaphore_mem>>) src(%dma_wait3A_96 : memref<100000x32xf32, #tpu.memory_space<hbm>>) dst(%dma_wait3A_91 : memref<128x32xf32, #tpu.memory_space<vmem>>)
    %dma_start3A_97 = arith.constant 0 : i32
    %dma_start3A_98 = tpu.memref_slice %arg5[%mul3A_2, %dma_start3A_97] : memref<16384x96xf32, #tpu.memory_space<hbm>> -> memref<512x32xf32, #tpu.memory_space<hbm>>
    %dma_start3A_99 = arith.constant 0 : i32
    %dma_start3A_100 = tpu.memref_slice %arg5[%mul3A_2, %dma_start3A_99] : memref<16384x96xf32, #tpu.memory_space<hbm>> -> memref<512x32xf32, #tpu.memory_space<hbm>>
    tpu.enqueue_dma source(%arg7 : memref<512x32xf32, #tpu.memory_space<vmem>>) target(%dma_start3A_100 : memref<512x32xf32, #tpu.memory_space<hbm>>) target_semaphore(%arg11 : memref<!tpu.dma_semaphore, #tpu.memory_space<semaphore_mem>>)
    %dma_wait3A_101 = arith.constant 0 : i32
    %dma_wait3A_102 = arith.constant 0 : i32
    %dma_wait3A_103 = tpu.memref_slice %arg8[%dma_wait3A_101, %dma_wait3A_102] : memref<512x64xf32, #tpu.memory_space<vmem>> -> memref<128x64xf32, #tpu.memory_space<vmem>>
    %dma_wait3A_104 = arith.constant 0 : i32
    %dma_wait3A_105 = tpu.memref_slice %arg6[%dma_wait3A_104] : memref<512xi32, #tpu.memory_space<vmem>> -> memref<128xi32, #tpu.memory_space<vmem>>
    %dma_wait3A_106 = arith.constant 0 : i32
    %dma_wait3A_107 = arith.constant 0 : i32
    %dma_wait3A_108 = tpu.memref_slice %arg3[%dma_wait3A_106, %dma_wait3A_107] : memref<100000x64xf32, #tpu.memory_space<hbm>> -> memref<100000x64xf32, #tpu.memory_space<hbm>>
    tpu.wait_indirect_dma semaphore(%arg10 : memref<!tpu.dma_semaphore, #tpu.memory_space<semaphore_mem>>) src(%dma_wait3A_108 : memref<100000x64xf32, #tpu.memory_space<hbm>>) dst(%dma_wait3A_103 : memref<128x64xf32, #tpu.memory_space<vmem>>)
    %dma_wait3A_109 = arith.constant 128 : i32
    %dma_wait3A_110 = arith.constant 0 : i32
    %dma_wait3A_111 = tpu.memref_slice %arg8[%dma_wait3A_109, %dma_wait3A_110] : memref<512x64xf32, #tpu.memory_space<vmem>> -> memref<128x64xf32, #tpu.memory_space<vmem>>
    %dma_wait3A_112 = arith.constant 128 : i32
    %dma_wait3A_113 = tpu.memref_slice %arg6[%dma_wait3A_112] : memref<512xi32, #tpu.memory_space<vmem>> -> memref<128xi32, #tpu.memory_space<vmem>>
    %dma_wait3A_114 = arith.constant 0 : i32
    %dma_wait3A_115 = arith.constant 0 : i32
    %dma_wait3A_116 = tpu.memref_slice %arg3[%dma_wait3A_114, %dma_wait3A_115] : memref<100000x64xf32, #tpu.memory_space<hbm>> -> memref<100000x64xf32, #tpu.memory_space<hbm>>
    tpu.wait_indirect_dma semaphore(%arg10 : memref<!tpu.dma_semaphore, #tpu.memory_space<semaphore_mem>>) src(%dma_wait3A_116 : memref<100000x64xf32, #tpu.memory_space<hbm>>) dst(%dma_wait3A_111 : memref<128x64xf32, #tpu.memory_space<vmem>>)
    %dma_wait3A_117 = arith.constant 256 : i32
    %dma_wait3A_118 = arith.constant 0 : i32
    %dma_wait3A_119 = tpu.memref_slice %arg8[%dma_wait3A_117, %dma_wait3A_118] : memref<512x64xf32, #tpu.memory_space<vmem>> -> memref<128x64xf32, #tpu.memory_space<vmem>>
    %dma_wait3A_120 = arith.constant 256 : i32
    %dma_wait3A_121 = tpu.memref_slice %arg6[%dma_wait3A_120] : memref<512xi32, #tpu.memory_space<vmem>> -> memref<128xi32, #tpu.memory_space<vmem>>
    %dma_wait3A_122 = arith.constant 0 : i32
    %dma_wait3A_123 = arith.constant 0 : i32
    %dma_wait3A_124 = tpu.memref_slice %arg3[%dma_wait3A_122, %dma_wait3A_123] : memref<100000x64xf32, #tpu.memory_space<hbm>> -> memref<100000x64xf32, #tpu.memory_space<hbm>>
    tpu.wait_indirect_dma semaphore(%arg10 : memref<!tpu.dma_semaphore, #tpu.memory_space<semaphore_mem>>) src(%dma_wait3A_124 : memref<100000x64xf32, #tpu.memory_space<hbm>>) dst(%dma_wait3A_119 : memref<128x64xf32, #tpu.memory_space<vmem>>)
    %dma_wait3A_125 = arith.constant 384 : i32
    %dma_wait3A_126 = arith.constant 0 : i32
    %dma_wait3A_127 = tpu.memref_slice %arg8[%dma_wait3A_125, %dma_wait3A_126] : memref<512x64xf32, #tpu.memory_space<vmem>> -> memref<128x64xf32, #tpu.memory_space<vmem>>
    %dma_wait3A_128 = arith.constant 384 : i32
    %dma_wait3A_129 = tpu.memref_slice %arg6[%dma_wait3A_128] : memref<512xi32, #tpu.memory_space<vmem>> -> memref<128xi32, #tpu.memory_space<vmem>>
    %dma_wait3A_130 = arith.constant 0 : i32
    %dma_wait3A_131 = arith.constant 0 : i32
    %dma_wait3A_132 = tpu.memref_slice %arg3[%dma_wait3A_130, %dma_wait3A_131] : memref<100000x64xf32, #tpu.memory_space<hbm>> -> memref<100000x64xf32, #tpu.memory_space<hbm>>
    tpu.wait_indirect_dma semaphore(%arg10 : memref<!tpu.dma_semaphore, #tpu.memory_space<semaphore_mem>>) src(%dma_wait3A_132 : memref<100000x64xf32, #tpu.memory_space<hbm>>) dst(%dma_wait3A_127 : memref<128x64xf32, #tpu.memory_space<vmem>>)
    %dma_start3A_133 = arith.constant 32 : i32
    %dma_start3A_134 = tpu.memref_slice %arg5[%mul3A_2, %dma_start3A_133] : memref<16384x96xf32, #tpu.memory_space<hbm>> -> memref<512x64xf32, #tpu.memory_space<hbm>>
    %dma_start3A_135 = arith.constant 32 : i32
    %dma_start3A_136 = tpu.memref_slice %arg5[%mul3A_2, %dma_start3A_135] : memref<16384x96xf32, #tpu.memory_space<hbm>> -> memref<512x64xf32, #tpu.memory_space<hbm>>
    tpu.enqueue_dma source(%arg8 : memref<512x64xf32, #tpu.memory_space<vmem>>) target(%dma_start3A_136 : memref<512x64xf32, #tpu.memory_space<hbm>>) target_semaphore(%arg11 : memref<!tpu.dma_semaphore, #tpu.memory_space<semaphore_mem>>)
    %dma_wait3A_137 = arith.constant 0 : i32
    %dma_wait3A_138 = tpu.memref_slice %arg5[%mul3A_2, %dma_wait3A_137] : memref<16384x96xf32, #tpu.memory_space<hbm>> -> memref<512x32xf32, #tpu.memory_space<hbm>>
    %dma_wait3A_139 = arith.constant 0 : i32
    %dma_wait3A_140 = tpu.memref_slice %arg5[%mul3A_2, %dma_wait3A_139] : memref<16384x96xf32, #tpu.memory_space<hbm>> -> memref<512x32xf32, #tpu.memory_space<hbm>>
    tpu.wait_dma2 semaphore(%arg11 : memref<!tpu.dma_semaphore, #tpu.memory_space<semaphore_mem>>) src(%arg7 : memref<512x32xf32, #tpu.memory_space<vmem>>) dst(%dma_wait3A_140 : memref<512x32xf32, #tpu.memory_space<hbm>>)
    %dma_wait3A_141 = arith.constant 32 : i32
    %dma_wait3A_142 = tpu.memref_slice %arg5[%mul3A_2, %dma_wait3A_141] : memref<16384x96xf32, #tpu.memory_space<hbm>> -> memref<512x64xf32, #tpu.memory_space<hbm>>
    %dma_wait3A_143 = arith.constant 32 : i32
    %dma_wait3A_144 = tpu.memref_slice %arg5[%mul3A_2, %dma_wait3A_143] : memref<16384x96xf32, #tpu.memory_space<hbm>> -> memref<512x64xf32, #tpu.memory_space<hbm>>
    tpu.wait_dma2 semaphore(%arg11 : memref<!tpu.dma_semaphore, #tpu.memory_space<semaphore_mem>>) src(%arg8 : memref<512x64xf32, #tpu.memory_space<vmem>>) dst(%dma_wait3A_144 : memref<512x64xf32, #tpu.memory_space<hbm>>)
    return
  }
}

#map = affine_map<(d0, d1) -> (0, 0)>
#map1 = affine_map<(d0, d1) -> (0)>
module attributes {stable_mosaic.version = 14 : i64} {
  func.func @_pair_gather(%arg0: i32, %arg1: i32, %arg2: memref<100000x32xf32, #tpu.memory_space<hbm>>, %arg3: memref<100000x64xf32, #tpu.memory_space<hbm>>, %arg4: memref<16384xi32, #tpu.memory_space<hbm>>, %arg5: memref<16384x96xf32, #tpu.memory_space<hbm>>, %arg6: memref<512xi32, #tpu.memory_space<vmem>>, %arg7: memref<512x32xf32, #tpu.memory_space<vmem>>, %arg8: memref<512x64xf32, #tpu.memory_space<vmem>>, %arg9: memref<!tpu.dma_semaphore, #tpu.memory_space<semaphore_mem>>, %arg10: memref<!tpu.dma_semaphore, #tpu.memory_space<semaphore_mem>>, %arg11: memref<!tpu.dma_semaphore, #tpu.memory_space<semaphore_mem>>) attributes {dimension_semantics = [#tpu.dimension_semantics<core_parallel>, #tpu.dimension_semantics<subcore_parallel>], iteration_bounds = array<i64: 2, 16>, scalar_prefetch = 0 : i64, scratch_operands = 6 : i64, tpu.core_type = #tpu.core_type<sc_vector_subcore>, window_params = [{transform_indices = #map}, {transform_indices = #map}, {transform_indices = #map1}, {transform_indices = #map}]} {
    %mul3A = arith.constant 2 : i32
    %mul3A_0 = arith.muli %arg1, %mul3A : i32
    %add3A = arith.addi %mul3A_0, %arg0 : i32
    %mul3A_1 = arith.constant 512 : i32
    %mul3A_2 = arith.muli %add3A, %mul3A_1 : i32
    "tpu.region"() ({
      %run_scoped3A = tpu.sem_alloc : memref<!tpu.dma_semaphore, #tpu.memory_space<semaphore_mem>>
      %dma_start3A_145 = tpu.memref_slice %arg4[%mul3A_2] : memref<16384xi32, #tpu.memory_space<hbm>> -> memref<512xi32, #tpu.memory_space<hbm>>
      %dma_start3A_146 = tpu.memref_slice %arg4[%mul3A_2] : memref<16384xi32, #tpu.memory_space<hbm>> -> memref<512xi32, #tpu.memory_space<hbm>>
      tpu.enqueue_dma source(%dma_start3A_146 : memref<512xi32, #tpu.memory_space<hbm>>) target(%arg6 : memref<512xi32, #tpu.memory_space<vmem>>) target_semaphore(%run_scoped3A : memref<!tpu.dma_semaphore, #tpu.memory_space<semaphore_mem>>)
      %dma_wait3A_147 = tpu.memref_slice %arg4[%mul3A_2] : memref<16384xi32, #tpu.memory_space<hbm>> -> memref<512xi32, #tpu.memory_space<hbm>>
      %dma_wait3A_148 = tpu.memref_slice %arg4[%mul3A_2] : memref<16384xi32, #tpu.memory_space<hbm>> -> memref<512xi32, #tpu.memory_space<hbm>>
      tpu.wait_dma2 semaphore(%run_scoped3A : memref<!tpu.dma_semaphore, #tpu.memory_space<semaphore_mem>>) src(%dma_wait3A_148 : memref<512xi32, #tpu.memory_space<hbm>>) dst(%arg6 : memref<512xi32, #tpu.memory_space<vmem>>)
      tpu.yield
    }) : () -> ()
    %dma_start3A = arith.constant 0 : i32
    %dma_start3A_3 = arith.constant 0 : i32
    %dma_start3A_4 = tpu.memref_slice %arg7[%dma_start3A, %dma_start3A_3] : memref<512x32xf32, #tpu.memory_space<vmem>> -> memref<128x32xf32, #tpu.memory_space<vmem>>
    %dma_start3A_5 = arith.constant 0 : i32
    %dma_start3A_6 = tpu.memref_slice %arg6[%dma_start3A_5] : memref<512xi32, #tpu.memory_space<vmem>> -> memref<128xi32, #tpu.memory_space<vmem>>
    %dma_start3A_7 = arith.constant 0 : i32
    %dma_start3A_8 = arith.constant 0 : i32
    %dma_start3A_9 = tpu.memref_slice %arg2[%dma_start3A_7, %dma_start3A_8] : memref<100000x32xf32, #tpu.memory_space<hbm>> -> memref<100000x32xf32, #tpu.memory_space<hbm>>
    tpu.enqueue_indirect_dma source(%dma_start3A_9 : memref<100000x32xf32, #tpu.memory_space<hbm>>) target(%dma_start3A_4 : memref<128x32xf32, #tpu.memory_space<vmem>>) offsets(%dma_start3A_6 : memref<128xi32, #tpu.memory_space<vmem>>) semaphore(%arg9 : memref<!tpu.dma_semaphore, #tpu.memory_space<semaphore_mem>>)
    %dma_start3A_10 = arith.constant 0 : i32
    %dma_start3A_11 = arith.constant 0 : i32
    %dma_start3A_12 = tpu.memref_slice %arg8[%dma_start3A_10, %dma_start3A_11] : memref<512x64xf32, #tpu.memory_space<vmem>> -> memref<128x64xf32, #tpu.memory_space<vmem>>
    %dma_start3A_13 = arith.constant 0 : i32
    %dma_start3A_14 = tpu.memref_slice %arg6[%dma_start3A_13] : memref<512xi32, #tpu.memory_space<vmem>> -> memref<128xi32, #tpu.memory_space<vmem>>
    %dma_start3A_15 = arith.constant 0 : i32
    %dma_start3A_16 = arith.constant 0 : i32
    %dma_start3A_17 = tpu.memref_slice %arg3[%dma_start3A_15, %dma_start3A_16] : memref<100000x64xf32, #tpu.memory_space<hbm>> -> memref<100000x64xf32, #tpu.memory_space<hbm>>
    tpu.enqueue_indirect_dma source(%dma_start3A_17 : memref<100000x64xf32, #tpu.memory_space<hbm>>) target(%dma_start3A_12 : memref<128x64xf32, #tpu.memory_space<vmem>>) offsets(%dma_start3A_14 : memref<128xi32, #tpu.memory_space<vmem>>) semaphore(%arg10 : memref<!tpu.dma_semaphore, #tpu.memory_space<semaphore_mem>>)
    %dma_start3A_18 = arith.constant 128 : i32
    %dma_start3A_19 = arith.constant 0 : i32
    %dma_start3A_20 = tpu.memref_slice %arg7[%dma_start3A_18, %dma_start3A_19] : memref<512x32xf32, #tpu.memory_space<vmem>> -> memref<128x32xf32, #tpu.memory_space<vmem>>
    %dma_start3A_21 = arith.constant 128 : i32
    %dma_start3A_22 = tpu.memref_slice %arg6[%dma_start3A_21] : memref<512xi32, #tpu.memory_space<vmem>> -> memref<128xi32, #tpu.memory_space<vmem>>
    %dma_start3A_23 = arith.constant 0 : i32
    %dma_start3A_24 = arith.constant 0 : i32
    %dma_start3A_25 = tpu.memref_slice %arg2[%dma_start3A_23, %dma_start3A_24] : memref<100000x32xf32, #tpu.memory_space<hbm>> -> memref<100000x32xf32, #tpu.memory_space<hbm>>
    tpu.enqueue_indirect_dma source(%dma_start3A_25 : memref<100000x32xf32, #tpu.memory_space<hbm>>) target(%dma_start3A_20 : memref<128x32xf32, #tpu.memory_space<vmem>>) offsets(%dma_start3A_22 : memref<128xi32, #tpu.memory_space<vmem>>) semaphore(%arg9 : memref<!tpu.dma_semaphore, #tpu.memory_space<semaphore_mem>>)
    %dma_start3A_26 = arith.constant 128 : i32
    %dma_start3A_27 = arith.constant 0 : i32
    %dma_start3A_28 = tpu.memref_slice %arg8[%dma_start3A_26, %dma_start3A_27] : memref<512x64xf32, #tpu.memory_space<vmem>> -> memref<128x64xf32, #tpu.memory_space<vmem>>
    %dma_start3A_29 = arith.constant 128 : i32
    %dma_start3A_30 = tpu.memref_slice %arg6[%dma_start3A_29] : memref<512xi32, #tpu.memory_space<vmem>> -> memref<128xi32, #tpu.memory_space<vmem>>
    %dma_start3A_31 = arith.constant 0 : i32
    %dma_start3A_32 = arith.constant 0 : i32
    %dma_start3A_33 = tpu.memref_slice %arg3[%dma_start3A_31, %dma_start3A_32] : memref<100000x64xf32, #tpu.memory_space<hbm>> -> memref<100000x64xf32, #tpu.memory_space<hbm>>
    tpu.enqueue_indirect_dma source(%dma_start3A_33 : memref<100000x64xf32, #tpu.memory_space<hbm>>) target(%dma_start3A_28 : memref<128x64xf32, #tpu.memory_space<vmem>>) offsets(%dma_start3A_30 : memref<128xi32, #tpu.memory_space<vmem>>) semaphore(%arg10 : memref<!tpu.dma_semaphore, #tpu.memory_space<semaphore_mem>>)
    %dma_start3A_34 = arith.constant 256 : i32
    %dma_start3A_35 = arith.constant 0 : i32
    %dma_start3A_36 = tpu.memref_slice %arg7[%dma_start3A_34, %dma_start3A_35] : memref<512x32xf32, #tpu.memory_space<vmem>> -> memref<128x32xf32, #tpu.memory_space<vmem>>
    %dma_start3A_37 = arith.constant 256 : i32
    %dma_start3A_38 = tpu.memref_slice %arg6[%dma_start3A_37] : memref<512xi32, #tpu.memory_space<vmem>> -> memref<128xi32, #tpu.memory_space<vmem>>
    %dma_start3A_39 = arith.constant 0 : i32
    %dma_start3A_40 = arith.constant 0 : i32
    %dma_start3A_41 = tpu.memref_slice %arg2[%dma_start3A_39, %dma_start3A_40] : memref<100000x32xf32, #tpu.memory_space<hbm>> -> memref<100000x32xf32, #tpu.memory_space<hbm>>
    tpu.enqueue_indirect_dma source(%dma_start3A_41 : memref<100000x32xf32, #tpu.memory_space<hbm>>) target(%dma_start3A_36 : memref<128x32xf32, #tpu.memory_space<vmem>>) offsets(%dma_start3A_38 : memref<128xi32, #tpu.memory_space<vmem>>) semaphore(%arg9 : memref<!tpu.dma_semaphore, #tpu.memory_space<semaphore_mem>>)
    %dma_start3A_42 = arith.constant 256 : i32
    %dma_start3A_43 = arith.constant 0 : i32
    %dma_start3A_44 = tpu.memref_slice %arg8[%dma_start3A_42, %dma_start3A_43] : memref<512x64xf32, #tpu.memory_space<vmem>> -> memref<128x64xf32, #tpu.memory_space<vmem>>
    %dma_start3A_45 = arith.constant 256 : i32
    %dma_start3A_46 = tpu.memref_slice %arg6[%dma_start3A_45] : memref<512xi32, #tpu.memory_space<vmem>> -> memref<128xi32, #tpu.memory_space<vmem>>
    %dma_start3A_47 = arith.constant 0 : i32
    %dma_start3A_48 = arith.constant 0 : i32
    %dma_start3A_49 = tpu.memref_slice %arg3[%dma_start3A_47, %dma_start3A_48] : memref<100000x64xf32, #tpu.memory_space<hbm>> -> memref<100000x64xf32, #tpu.memory_space<hbm>>
    tpu.enqueue_indirect_dma source(%dma_start3A_49 : memref<100000x64xf32, #tpu.memory_space<hbm>>) target(%dma_start3A_44 : memref<128x64xf32, #tpu.memory_space<vmem>>) offsets(%dma_start3A_46 : memref<128xi32, #tpu.memory_space<vmem>>) semaphore(%arg10 : memref<!tpu.dma_semaphore, #tpu.memory_space<semaphore_mem>>)
    %dma_start3A_50 = arith.constant 384 : i32
    %dma_start3A_51 = arith.constant 0 : i32
    %dma_start3A_52 = tpu.memref_slice %arg7[%dma_start3A_50, %dma_start3A_51] : memref<512x32xf32, #tpu.memory_space<vmem>> -> memref<128x32xf32, #tpu.memory_space<vmem>>
    %dma_start3A_53 = arith.constant 384 : i32
    %dma_start3A_54 = tpu.memref_slice %arg6[%dma_start3A_53] : memref<512xi32, #tpu.memory_space<vmem>> -> memref<128xi32, #tpu.memory_space<vmem>>
    %dma_start3A_55 = arith.constant 0 : i32
    %dma_start3A_56 = arith.constant 0 : i32
    %dma_start3A_57 = tpu.memref_slice %arg2[%dma_start3A_55, %dma_start3A_56] : memref<100000x32xf32, #tpu.memory_space<hbm>> -> memref<100000x32xf32, #tpu.memory_space<hbm>>
    tpu.enqueue_indirect_dma source(%dma_start3A_57 : memref<100000x32xf32, #tpu.memory_space<hbm>>) target(%dma_start3A_52 : memref<128x32xf32, #tpu.memory_space<vmem>>) offsets(%dma_start3A_54 : memref<128xi32, #tpu.memory_space<vmem>>) semaphore(%arg9 : memref<!tpu.dma_semaphore, #tpu.memory_space<semaphore_mem>>)
    %dma_start3A_58 = arith.constant 384 : i32
    %dma_start3A_59 = arith.constant 0 : i32
    %dma_start3A_60 = tpu.memref_slice %arg8[%dma_start3A_58, %dma_start3A_59] : memref<512x64xf32, #tpu.memory_space<vmem>> -> memref<128x64xf32, #tpu.memory_space<vmem>>
    %dma_start3A_61 = arith.constant 384 : i32
    %dma_start3A_62 = tpu.memref_slice %arg6[%dma_start3A_61] : memref<512xi32, #tpu.memory_space<vmem>> -> memref<128xi32, #tpu.memory_space<vmem>>
    %dma_start3A_63 = arith.constant 0 : i32
    %dma_start3A_64 = arith.constant 0 : i32
    %dma_start3A_65 = tpu.memref_slice %arg3[%dma_start3A_63, %dma_start3A_64] : memref<100000x64xf32, #tpu.memory_space<hbm>> -> memref<100000x64xf32, #tpu.memory_space<hbm>>
    tpu.enqueue_indirect_dma source(%dma_start3A_65 : memref<100000x64xf32, #tpu.memory_space<hbm>>) target(%dma_start3A_60 : memref<128x64xf32, #tpu.memory_space<vmem>>) offsets(%dma_start3A_62 : memref<128xi32, #tpu.memory_space<vmem>>) semaphore(%arg10 : memref<!tpu.dma_semaphore, #tpu.memory_space<semaphore_mem>>)
    %dma_wait3A = arith.constant 0 : i32
    %dma_wait3A_66 = arith.constant 0 : i32
    %dma_wait3A_67 = tpu.memref_slice %arg7[%dma_wait3A, %dma_wait3A_66] : memref<512x32xf32, #tpu.memory_space<vmem>> -> memref<128x32xf32, #tpu.memory_space<vmem>>
    %dma_wait3A_68 = arith.constant 0 : i32
    %dma_wait3A_69 = tpu.memref_slice %arg6[%dma_wait3A_68] : memref<512xi32, #tpu.memory_space<vmem>> -> memref<128xi32, #tpu.memory_space<vmem>>
    %dma_wait3A_70 = arith.constant 0 : i32
    %dma_wait3A_71 = arith.constant 0 : i32
    %dma_wait3A_72 = tpu.memref_slice %arg2[%dma_wait3A_70, %dma_wait3A_71] : memref<100000x32xf32, #tpu.memory_space<hbm>> -> memref<100000x32xf32, #tpu.memory_space<hbm>>
    tpu.wait_indirect_dma semaphore(%arg9 : memref<!tpu.dma_semaphore, #tpu.memory_space<semaphore_mem>>) src(%dma_wait3A_72 : memref<100000x32xf32, #tpu.memory_space<hbm>>) dst(%dma_wait3A_67 : memref<128x32xf32, #tpu.memory_space<vmem>>)
    %dma_wait3A_73 = arith.constant 128 : i32
    %dma_wait3A_74 = arith.constant 0 : i32
    %dma_wait3A_75 = tpu.memref_slice %arg7[%dma_wait3A_73, %dma_wait3A_74] : memref<512x32xf32, #tpu.memory_space<vmem>> -> memref<128x32xf32, #tpu.memory_space<vmem>>
    %dma_wait3A_76 = arith.constant 128 : i32
    %dma_wait3A_77 = tpu.memref_slice %arg6[%dma_wait3A_76] : memref<512xi32, #tpu.memory_space<vmem>> -> memref<128xi32, #tpu.memory_space<vmem>>
    %dma_wait3A_78 = arith.constant 0 : i32
    %dma_wait3A_79 = arith.constant 0 : i32
    %dma_wait3A_80 = tpu.memref_slice %arg2[%dma_wait3A_78, %dma_wait3A_79] : memref<100000x32xf32, #tpu.memory_space<hbm>> -> memref<100000x32xf32, #tpu.memory_space<hbm>>
    tpu.wait_indirect_dma semaphore(%arg9 : memref<!tpu.dma_semaphore, #tpu.memory_space<semaphore_mem>>) src(%dma_wait3A_80 : memref<100000x32xf32, #tpu.memory_space<hbm>>) dst(%dma_wait3A_75 : memref<128x32xf32, #tpu.memory_space<vmem>>)
    %dma_wait3A_81 = arith.constant 256 : i32
    %dma_wait3A_82 = arith.constant 0 : i32
    %dma_wait3A_83 = tpu.memref_slice %arg7[%dma_wait3A_81, %dma_wait3A_82] : memref<512x32xf32, #tpu.memory_space<vmem>> -> memref<128x32xf32, #tpu.memory_space<vmem>>
    %dma_wait3A_84 = arith.constant 256 : i32
    %dma_wait3A_85 = tpu.memref_slice %arg6[%dma_wait3A_84] : memref<512xi32, #tpu.memory_space<vmem>> -> memref<128xi32, #tpu.memory_space<vmem>>
    %dma_wait3A_86 = arith.constant 0 : i32
    %dma_wait3A_87 = arith.constant 0 : i32
    %dma_wait3A_88 = tpu.memref_slice %arg2[%dma_wait3A_86, %dma_wait3A_87] : memref<100000x32xf32, #tpu.memory_space<hbm>> -> memref<100000x32xf32, #tpu.memory_space<hbm>>
    tpu.wait_indirect_dma semaphore(%arg9 : memref<!tpu.dma_semaphore, #tpu.memory_space<semaphore_mem>>) src(%dma_wait3A_88 : memref<100000x32xf32, #tpu.memory_space<hbm>>) dst(%dma_wait3A_83 : memref<128x32xf32, #tpu.memory_space<vmem>>)
    %dma_wait3A_89 = arith.constant 384 : i32
    %dma_wait3A_90 = arith.constant 0 : i32
    %dma_wait3A_91 = tpu.memref_slice %arg7[%dma_wait3A_89, %dma_wait3A_90] : memref<512x32xf32, #tpu.memory_space<vmem>> -> memref<128x32xf32, #tpu.memory_space<vmem>>
    %dma_wait3A_92 = arith.constant 384 : i32
    %dma_wait3A_93 = tpu.memref_slice %arg6[%dma_wait3A_92] : memref<512xi32, #tpu.memory_space<vmem>> -> memref<128xi32, #tpu.memory_space<vmem>>
    %dma_wait3A_94 = arith.constant 0 : i32
    %dma_wait3A_95 = arith.constant 0 : i32
    %dma_wait3A_96 = tpu.memref_slice %arg2[%dma_wait3A_94, %dma_wait3A_95] : memref<100000x32xf32, #tpu.memory_space<hbm>> -> memref<100000x32xf32, #tpu.memory_space<hbm>>
    tpu.wait_indirect_dma semaphore(%arg9 : memref<!tpu.dma_semaphore, #tpu.memory_space<semaphore_mem>>) src(%dma_wait3A_96 : memref<100000x32xf32, #tpu.memory_space<hbm>>) dst(%dma_wait3A_91 : memref<128x32xf32, #tpu.memory_space<vmem>>)
    %dma_start3A_97 = arith.constant 0 : i32
    %dma_start3A_98 = tpu.memref_slice %arg5[%mul3A_2, %dma_start3A_97] : memref<16384x96xf32, #tpu.memory_space<hbm>> -> memref<512x32xf32, #tpu.memory_space<hbm>>
    %dma_start3A_99 = arith.constant 0 : i32
    %dma_start3A_100 = tpu.memref_slice %arg5[%mul3A_2, %dma_start3A_99] : memref<16384x96xf32, #tpu.memory_space<hbm>> -> memref<512x32xf32, #tpu.memory_space<hbm>>
    tpu.enqueue_dma source(%arg7 : memref<512x32xf32, #tpu.memory_space<vmem>>) target(%dma_start3A_100 : memref<512x32xf32, #tpu.memory_space<hbm>>) target_semaphore(%arg11 : memref<!tpu.dma_semaphore, #tpu.memory_space<semaphore_mem>>)
    %dma_wait3A_101 = arith.constant 0 : i32
    %dma_wait3A_102 = arith.constant 0 : i32
    %dma_wait3A_103 = tpu.memref_slice %arg8[%dma_wait3A_101, %dma_wait3A_102] : memref<512x64xf32, #tpu.memory_space<vmem>> -> memref<128x64xf32, #tpu.memory_space<vmem>>
    %dma_wait3A_104 = arith.constant 0 : i32
    %dma_wait3A_105 = tpu.memref_slice %arg6[%dma_wait3A_104] : memref<512xi32, #tpu.memory_space<vmem>> -> memref<128xi32, #tpu.memory_space<vmem>>
    %dma_wait3A_106 = arith.constant 0 : i32
    %dma_wait3A_107 = arith.constant 0 : i32
    %dma_wait3A_108 = tpu.memref_slice %arg3[%dma_wait3A_106, %dma_wait3A_107] : memref<100000x64xf32, #tpu.memory_space<hbm>> -> memref<100000x64xf32, #tpu.memory_space<hbm>>
    tpu.wait_indirect_dma semaphore(%arg10 : memref<!tpu.dma_semaphore, #tpu.memory_space<semaphore_mem>>) src(%dma_wait3A_108 : memref<100000x64xf32, #tpu.memory_space<hbm>>) dst(%dma_wait3A_103 : memref<128x64xf32, #tpu.memory_space<vmem>>)
    %dma_wait3A_109 = arith.constant 128 : i32
    %dma_wait3A_110 = arith.constant 0 : i32
    %dma_wait3A_111 = tpu.memref_slice %arg8[%dma_wait3A_109, %dma_wait3A_110] : memref<512x64xf32, #tpu.memory_space<vmem>> -> memref<128x64xf32, #tpu.memory_space<vmem>>
    %dma_wait3A_112 = arith.constant 128 : i32
    %dma_wait3A_113 = tpu.memref_slice %arg6[%dma_wait3A_112] : memref<512xi32, #tpu.memory_space<vmem>> -> memref<128xi32, #tpu.memory_space<vmem>>
    %dma_wait3A_114 = arith.constant 0 : i32
    %dma_wait3A_115 = arith.constant 0 : i32
    %dma_wait3A_116 = tpu.memref_slice %arg3[%dma_wait3A_114, %dma_wait3A_115] : memref<100000x64xf32, #tpu.memory_space<hbm>> -> memref<100000x64xf32, #tpu.memory_space<hbm>>
    tpu.wait_indirect_dma semaphore(%arg10 : memref<!tpu.dma_semaphore, #tpu.memory_space<semaphore_mem>>) src(%dma_wait3A_116 : memref<100000x64xf32, #tpu.memory_space<hbm>>) dst(%dma_wait3A_111 : memref<128x64xf32, #tpu.memory_space<vmem>>)
    %dma_wait3A_117 = arith.constant 256 : i32
    %dma_wait3A_118 = arith.constant 0 : i32
    %dma_wait3A_119 = tpu.memref_slice %arg8[%dma_wait3A_117, %dma_wait3A_118] : memref<512x64xf32, #tpu.memory_space<vmem>> -> memref<128x64xf32, #tpu.memory_space<vmem>>
    %dma_wait3A_120 = arith.constant 256 : i32
    %dma_wait3A_121 = tpu.memref_slice %arg6[%dma_wait3A_120] : memref<512xi32, #tpu.memory_space<vmem>> -> memref<128xi32, #tpu.memory_space<vmem>>
    %dma_wait3A_122 = arith.constant 0 : i32
    %dma_wait3A_123 = arith.constant 0 : i32
    %dma_wait3A_124 = tpu.memref_slice %arg3[%dma_wait3A_122, %dma_wait3A_123] : memref<100000x64xf32, #tpu.memory_space<hbm>> -> memref<100000x64xf32, #tpu.memory_space<hbm>>
    tpu.wait_indirect_dma semaphore(%arg10 : memref<!tpu.dma_semaphore, #tpu.memory_space<semaphore_mem>>) src(%dma_wait3A_124 : memref<100000x64xf32, #tpu.memory_space<hbm>>) dst(%dma_wait3A_119 : memref<128x64xf32, #tpu.memory_space<vmem>>)
    %dma_wait3A_125 = arith.constant 384 : i32
    %dma_wait3A_126 = arith.constant 0 : i32
    %dma_wait3A_127 = tpu.memref_slice %arg8[%dma_wait3A_125, %dma_wait3A_126] : memref<512x64xf32, #tpu.memory_space<vmem>> -> memref<128x64xf32, #tpu.memory_space<vmem>>
    %dma_wait3A_128 = arith.constant 384 : i32
    %dma_wait3A_129 = tpu.memref_slice %arg6[%dma_wait3A_128] : memref<512xi32, #tpu.memory_space<vmem>> -> memref<128xi32, #tpu.memory_space<vmem>>
    %dma_wait3A_130 = arith.constant 0 : i32
    %dma_wait3A_131 = arith.constant 0 : i32
    %dma_wait3A_132 = tpu.memref_slice %arg3[%dma_wait3A_130, %dma_wait3A_131] : memref<100000x64xf32, #tpu.memory_space<hbm>> -> memref<100000x64xf32, #tpu.memory_space<hbm>>
    tpu.wait_indirect_dma semaphore(%arg10 : memref<!tpu.dma_semaphore, #tpu.memory_space<semaphore_mem>>) src(%dma_wait3A_132 : memref<100000x64xf32, #tpu.memory_space<hbm>>) dst(%dma_wait3A_127 : memref<128x64xf32, #tpu.memory_space<vmem>>)
    %dma_start3A_133 = arith.constant 32 : i32
    %dma_start3A_134 = tpu.memref_slice %arg5[%mul3A_2, %dma_start3A_133] : memref<16384x96xf32, #tpu.memory_space<hbm>> -> memref<512x64xf32, #tpu.memory_space<hbm>>
    %dma_start3A_135 = arith.constant 32 : i32
    %dma_start3A_136 = tpu.memref_slice %arg5[%mul3A_2, %dma_start3A_135] : memref<16384x96xf32, #tpu.memory_space<hbm>> -> memref<512x64xf32, #tpu.memory_space<hbm>>
    tpu.enqueue_dma source(%arg8 : memref<512x64xf32, #tpu.memory_space<vmem>>) target(%dma_start3A_136 : memref<512x64xf32, #tpu.memory_space<hbm>>) target_semaphore(%arg11 : memref<!tpu.dma_semaphore, #tpu.memory_space<semaphore_mem>>)
    %dma_wait3A_137 = arith.constant 0 : i32
    %dma_wait3A_138 = tpu.memref_slice %arg5[%mul3A_2, %dma_wait3A_137] : memref<16384x96xf32, #tpu.memory_space<hbm>> -> memref<512x32xf32, #tpu.memory_space<hbm>>
    %dma_wait3A_139 = arith.constant 0 : i32
    %dma_wait3A_140 = tpu.memref_slice %arg5[%mul3A_2, %dma_wait3A_139] : memref<16384x96xf32, #tpu.memory_space<hbm>> -> memref<512x32xf32, #tpu.memory_space<hbm>>
    tpu.wait_dma2 semaphore(%arg11 : memref<!tpu.dma_semaphore, #tpu.memory_space<semaphore_mem>>) src(%arg7 : memref<512x32xf32, #tpu.memory_space<vmem>>) dst(%dma_wait3A_140 : memref<512x32xf32, #tpu.memory_space<hbm>>)
    %dma_wait3A_141 = arith.constant 32 : i32
    %dma_wait3A_142 = tpu.memref_slice %arg5[%mul3A_2, %dma_wait3A_141] : memref<16384x96xf32, #tpu.memory_space<hbm>> -> memref<512x64xf32, #tpu.memory_space<hbm>>
    %dma_wait3A_143 = arith.constant 32 : i32
    %dma_wait3A_144 = tpu.memref_slice %arg5[%mul3A_2, %dma_wait3A_143] : memref<16384x96xf32, #tpu.memory_space<hbm>> -> memref<512x64xf32, #tpu.memory_space<hbm>>
    tpu.wait_dma2 semaphore(%arg11 : memref<!tpu.dma_semaphore, #tpu.memory_space<semaphore_mem>>) src(%arg8 : memref<512x64xf32, #tpu.memory_space<vmem>>) dst(%dma_wait3A_144 : memref<512x64xf32, #tpu.memory_space<hbm>>)
    return
  }
}

</mosaic_0001>

<sc_bundles>
// kernel: kernel.4.cloned.1.call-start
scs
__scs_entry_jumppad:
0x0: {  	(pc) =	sbr.rel $0x88, $3  }
0x1: {  	(tag) =	ssettag $0x0;
	lr =	simm.s32 $0x1  }
0x2: {  	[smem:$0x3F9B] =	sst lr;
	_ =	strace $0xD0000000  }
0x3: {  	_ = 	snop  }
0x4: {  	_ = 	snop  }
0x5: {  	_ = 	snop  }
0x6: {  	_ = 	snop  }
0x7: {  	_ = 	snop  }
__scs_overlays_trampoline_lowered:
0x8: {  	[smem:$0x3FAA] =	sst s0  }
0x9: {  	[smem:$0x3FAB] =	sst s1  }
0xa: {  	[smem:$0x3FAC] =	sst s2  }
0xb: {  	[smem:$0x3FAD] =	sst s3  }
0xc: {  	[smem:$0x3FAE] =	sst s4  }
0xd: {  	[smem:$0x3FAF] =	sst s5  }
0xe: {  	[smem:$0x3FB0] =	sst s6  }
0xf: {  	[smem:$0x3FB1] =	sst s7  }
0x10: {  	[smem:$0x3FB2] =	sst s8  }
0x11: {  	[smem:$0x3FB3] =	sst s9;
	s0 =	simm.s32 @!p0 $0x0  }
0x12: {  	s1 =	sld [smem:$0x3F99];
	s0 =	simm.s32 @p0 $0x1  }
0x13: {  	[smem:$0x3FB4] =	sst s0;
	s0 =	simm.s32 @!p1 $0x0  }
0x14: {  	s2 =	sld [smem:$0x3F98];
	s0 =	simm.s32 @p1 $0x1  }
0x15: {  	[smem:$0x3FB5] =	sst s0;
	s0 =	simm.s32 @!p2 $0x0  }
0x16: {  	s3 =	sld [smem:$0x3FDB];
	s0 =	simm.s32 @p2 $0x1  }
0x17: {  	s4 =	simm.s32 $0x1BF5;
	[smem:$0x3FB7] =	sst s0  }
0x18: {  	s0 =	sld [smem:$0x3F9A];
	_ =	swait.ge [sflag:s4], $0x0  }
0x19: {  	s7 =	sld [smem:$0x3F9B]  }
0x1a: {  	s8 =	sadd.s32 $0xFFFFE003, lr  }
0x1b: {  	s9 =	sadd.s32 $0xFFFFFEF7, lr;
	s5 =	simm.s32 $0xFFFFFFFF;
	p2 =	slt.u32 s8, $0xFFFFF086  }
0x1c: {  	p1 =	slt.u32 s9, $0xF7A;
	s5 =	simm.s32 @!p2 $0x0  }
0x1d: {  	s5 =	simm.s32 @p1 $0x1;
	p0 =	seq.s32 s7, s2  }
0x1e: {  	s7 =	smul.u32 @!p0 $0xF7A, s2;
	p2 =	seq.s32 @!p0 s5, $0x0  }
0x1f: {  	s9 =	smul.u32 $0xF7A, s1;
	s8 =	simm.s32 @!p0 $0x1BF5;
	p2 =	por !p2, p0  }
0x20: {  	[sflag:s8] =	ssyncset.s32 @!p0 $0xFFFFF086;
	s6 =	sadd.s32 @!p0 s3, s7;
	s7 =	simm.s32 @!p0 $0x108  }
0x21: {  	s3 =	sadd.s32 s3, s9;
	s6 =	sadd.s32 @!p0 $0x88, s6;
	s7 =	simm.s32 @p2 $0x1082  }
0x22: {  	[simem:s7], [sflag:s8] =	dma.local @!p0 [hbm:s6], $0xF7A  }
0x23: {  	s9 =	sor.u32 $0xD0000000, s2;
	s6 =	simm.s32 $0x108;
	_ =	swait.ge @!p0 [sflag:s8], $0x0  }
0x24: {  	s3 =	sadd.s32 $0x88, s3;
	s6 =	simm.s32 @!p1 $0x1082;
	[sflag:s4] =	ssyncset.s32 $0xFFFFF086  }
0x25: {  	[simem:s6], [sflag:s4] =	dma.local [hbm:s3], $0xF7A  }
0x26: {  	[smem:$0x3F9B] =	sst s1;
	(tag) =	ssettag s2;
	_ =	strace s9  }
0x27: {  	s1 =	sld [smem:$0x3FAB]  }
0x28: {  	s2 =	sld [smem:$0x3FAC]  }
0x29: {  	s4 =	sld [smem:$0x3FAE]  }
0x2a: {  	p0 =	seq.s32 s5, $0x0;
	s5 =	sld [smem:$0x3FAF]  }
0x2b: {  	s6 =	sld [smem:$0x3FB0]  }
0x2c: {  	s7 =	sld [smem:$0x3FB1]  }
0x2d: {  	s3 =	simm.s32 $0x108;
	s8 =	sld [smem:$0x3FB2]  }
0x2e: {  	s3 =	simm.s32 @!p0 $0x1082;
	s9 =	sld [smem:$0x3FB3]  }
0x2f: {  	lr =	sadd.s32 s0, s3;
	s0 =	sld [smem:$0x3FAA]  }
0x30: {  	s3 =	sld [smem:$0x3FAD]  }
0x31: {  	[smem:$0x3FB6] =	sst s10  }
0x32: {  	s10 =	sld [smem:$0x3FB4];
	_ =	sdelay $0x3  }
0x33: {  	p0 =	seq.s32 s10, $0x1;
	s10 =	sld [smem:$0x3FB6];
	_ =	sdelay $0x3  }
0x34: {  	[smem:$0x3FB6] =	sst s10  }
0x35: {  	s10 =	sld [smem:$0x3FB5];
	_ =	sdelay $0x3  }
0x36: {  	p1 =	seq.s32 s10, $0x1;
	s10 =	sld [smem:$0x3FB6];
	_ =	sdelay $0x3  }
0x37: {  	[smem:$0x3FB6] =	sst s10  }
0x38: {  	s10 =	sld [smem:$0x3FB7]  }
0x39: {  	_ = 	snop;
	(pc) =	sbr.ind lr, $3  }
0x3a: {  	_ = 	snop  }
0x3b: {  	_ = 	snop  }
0x3c: {  	p2 =	seq.s32 s10, $0x1;
	s10 =	sld [smem:$0x3FB6]  }
0x3d: {  	_ =	shalt  }
0x3e: {  	_ =	shalt  }
0x3f: {  	_ =	shalt  }
0x40: {  	_ =	shalt  }
0x41: {  	_ =	shalt  }
0x42: {  	_ =	shalt  }
0x43: {  	_ =	shalt  }
0x44: {  	_ =	shalt  }
0x45: {  	_ =	shalt  }
0x46: {  	_ =	shalt  }
0x47: {  	_ =	shalt  }
0x48: {  	_ =	shalt  }
0x49: {  	_ =	shalt  }
0x4a: {  	_ =	shalt  }
0x4b: {  	_ =	shalt  }
0x4c: {  	_ =	shalt  }
0x4d: {  	_ =	shalt  }
0x4e: {  	_ =	shalt  }
0x4f: {  	_ =	shalt  }
0x50: {  	_ =	shalt  }
0x51: {  	_ =	shalt  }
0x52: {  	_ =	shalt  }
0x53: {  	_ =	shalt  }
0x54: {  	_ =	shalt  }
0x55: {  	_ =	shalt  }
0x56: {  	_ =	shalt  }
0x57: {  	_ =	shalt  }
0x58: {  	_ =	shalt  }
0x59: {  	_ =	shalt  }
0x5a: {  	_ =	shalt  }
0x5b: {  	_ =	shalt  }
0x5c: {  	_ =	shalt  }
0x5d: {  	_ =	shalt  }
0x5e: {  	_ =	shalt  }
0x5f: {  	_ =	shalt  }
0x60: {  	_ =	shalt  }
0x61: {  	_ =	shalt  }
0x62: {  	_ =	shalt  }
0x63: {  	_ =	shalt  }
0x64: {  	_ =	shalt  }
0x65: {  	_ =	shalt  }
0x66: {  	_ =	shalt  }
0x67: {  	_ =	shalt  }
0x68: {  	_ =	shalt  }
0x69: {  	_ =	shalt  }
0x6a: {  	_ =	shalt  }
0x6b: {  	_ =	shalt  }
0x6c: {  	_ =	shalt  }
0x6d: {  	_ =	shalt  }
0x6e: {  	_ =	shalt  }
0x6f: {  	_ =	shalt  }
0x70: {  	_ =	shalt  }
0x71: {  	_ =	shalt  }
0x72: {  	_ =	shalt  }
0x73: {  	_ =	shalt  }
0x74: {  	_ =	shalt  }
0x75: {  	_ =	shalt  }
0x76: {  	_ =	shalt  }
0x77: {  	_ =	shalt  }
0x78: {  	_ =	shalt  }
0x79: {  	_ =	shalt  }
0x7a: {  	_ =	shalt  }
0x7b: {  	_ =	shalt  }
0x7c: {  	_ =	shalt  }
0x7d: {  	_ =	shalt  }
0x7e: {  	_ =	shalt  }
0x7f: {  	_ =	shalt  }
0x80: {  	_ =	shalt  }
0x81: {  	_ =	shalt  }
0x82: {  	_ =	shalt  }
0x83: {  	_ =	shalt  }
0x84: {  	_ =	shalt  }
0x85: {  	_ =	shalt  }
0x86: {  	_ =	shalt  }
0x87: {  	_ =	shalt  }
.Lfunc_end0:
.L_simem_size_0:
called_computation_lowered:
.L_overlay_start_0:
0x88: {  	s2 =	sld [smem:$0x3FD9]  }
0x89: {  	s3 =	sld [smem:$0x3FFE];
	_ =	sdelay $0x1  }
0x8a: {  	s1 =	srdreg.scid  }
0x8b: {  	s0 =	sand.u32 $0x1, s1  }
0x8c: {  	s14 =	sshll.u32 s0, $0xA;
	s2 =	sadd.s32 s3, s2  }
0x8d: {  	s2 =	sadd.s32 s2, s14  }
0x8e: {  	[smem:$0x3FC2] =	sst s2  }
0x8f: {  	_ = 	snop  }
0x90: {  	s2 =	sld [smem:$0x3FD0];
	_ =	sdelay $0x2  }
0x91: {  	s4 =	simm.s32 $0xB;
	s5 =	simm.s32 $0x10;
	s15 =	sld [smem:$0x3FC5]  }
0x92: {  	[smem:s5], [sflag:s4] =	dma.local [hbm:s2], $0x1  }
0x93: {  	_ =	swait.eq [sflag:s4], $0x1  }
0x94: {  	[sflag:s4] =	ssyncset.done $0x0  }
0x95: {  	[sflag:s4] =	ssyncadd.s32 $0xFFFFFFFF  }
0x96: {  	s16 =	sld [smem:$0x10];
	(tm) =	ssettm $0x1  }
0x97: {  	s17 =	sld [smem:$0x3FFB];
	_ =	sdelay $0x3  }
0x98: {  	_ =	strace s17  }
0x99: {  	s4 =	sld [smem:$0x3FFC];
	_ =	sdelay $0x3  }
0x9a: {  	_ =	strace s4  }
0x9b: {  	s4 =	sld [smem:$0x3FFD];
	_ =	sdelay $0x3  }
0x9c: {  	_ =	strace s4  }
0x9d: {  	_ =	strace $0x8FFFFFFF  }
0x9e: {  	s18 =	sld [smem:$0x3FDB];
	_ =	sdelay $0x1  }
0x9f: {  	s19 =	simm.s32 $_scs_section_size  }
0xa0: {  	s6 =	simm.s32 $_size__tile_overlayer_lowered;
	s7 =	simm.s32 $_tile_overlayer_lowered  }
0xa1: {  	s22 =	simm.s32 $0x1BFF;
	s21 =	sshll.u32 s7, $0x1;
	s4 =	sadd.s32 s19, s18  }
0xa2: {  	s8 =	simm.s32 $0x0;
	s20 =	sshll.u32 s6, $0x1;
	s6 =	sadd.s32 s21, s4  }
0xa3: {  	[timem:s8], [sflag:s22] =	dma.local [hbm:s6], s20  }
0xa4: {  	_ =	swait.ge [sflag:s22], s20  }
0xa5: {  	s5 =	ssub.s32 $0x0, s20;
	[sflag:s22] =	ssyncset.done $0x0  }
0xa6: {  	[sflag:s22] =	ssyncadd.s32 s5;
	_ =	sdelay $0x1  }
0xa7: {  	s23 =	simm.s32 $0x1B8B  }
0xa8: {  	_ =	swait.ge [sflag:s23], $0x1  }
0xa9: {  	[sflag:s23] =	ssyncset.done $0x0  }
0xaa: {  	s25 =	simm.s32 $0x1B8E;
	s24 =	sld [smem:$0x3FFE];
	[sflag:s23] =	ssyncadd.s32 $0xFFFFFFFF  }
0xab: {  	s26 =	simm.s32 $execute0_lowered;
	[smem:$0x3FD2] =	sst s25  }
0xac: {  	s6 =	sshll.u32 s26, $0x1;
	_ =	strace $0x80000046;
	[dreg:$0x1] =	wrdreg $0xFFFFFFFF  }
0xad: {  	s28 =	simm.s32 $_size_execute0_lowered;
	s4 =	sadd.s32 s4, s6;
	[dreg:$0x0] =	wrdreg $0x0  }
0xae: {  	s6 =	sshll.u32 s28, $0x1;
	[dreg:$0x2] =	wrdreg s4  }
0xaf: {  	[dreg:$0x3] =	wrdreg s6  }
0xb0: {  	[dreg:$0x4] =	wrdreg $0xC0  }
0xb1: {  	_ =	task [dreg:s8], $0x5FFFF  }
0xb2: {  	[dreg:$0x1] =	wrdreg $0xFFFFFFFF  }
0xb3: {  	[dreg:$0x0] =	wrdreg $0x60  }
0xb4: {  	[dreg:$0x2] =	wrdreg s24  }
0xb5: {  	[dreg:$0x3] =	wrdreg s15  }
0xb6: {  	[dreg:$0x4] =	wrdreg s16  }
0xb7: {  	[dreg:$0x5] =	wrdreg $0x9  }
0xb8: {  	_ =	task.clear_ibuf [dreg:s8], $0x6FFFF;
	_ =	strace $0x90000046  }
0xb9: {  	s29 =	simm.s32 $0x9;
	_ =	strace $0x80000048  }
0xba: {  	_ =	swait.ge [sflag:s29], $0x1  }
0xbb: {  	[sflag:s29] =	ssyncadd.s32 $0xFFFFFFFF  }
0xbc: {  	_ =	strace $0x90000048  }
0xbd: {  	_ =	sfence  }
0xbe: {  	s30 =	sld [smem:$0x0];
	_ =	sdelay $0x2  }
0xbf: {  	s31 =	sshll.u32 s1, $0xD;
	s1 =	sshrl.u32 s1, $0x2  }
0xc0: {  	s3 =	sand.u32 $0x4000, s31;
	s1 =	sadd.s32 s1, s30  }
0xc1: {  	s0 =	sor.u32 s3, s0;
	s1 =	sshll.u32 s1, $0x11  }
0xc2: {  	s0 =	sor.u32 s1, s0  }
0xc3: {  	s0 =	sadd.s32 $0x8F2B, s0  }
0xc4: {  	[sflag:s0] =	ssyncadd.remote.s32 $0x1  }
0xc5: {  	_ =	sfence.sel $0xFFFF  }
0xc6: {  	[dreg:$0x0] =	wrdreg $0xFFFFFFFF;
	(pc) =	sbr.abs _section_cstart, $3  }
0xc7: {  	[dreg:$0x1] =	wrdreg $0xFFFFFFFF  }
0xc8: {  	_ =	task.clear_ibuf [dreg:s8], $0x2FFFF;
	_ =	strace $0x9FFFFFFF  }
0xc9: {  	(tm) =	ssettm $0x7FFFFFFF  }
tec
execute0_lowered:
.L_overlay_start_1:
0x0: {  	(tag) =	ssettag $0x1  }
0x1: {  	s8 =	rddreg [dreg:$0x0];
	s1 =	srdreg.scid  }
0x2: {  	s3 =	rddreg [dreg:$0x1];
	s0 =	stileid.u32;
	s25 =	sand.u32 $0x1, s1  }
0x3: {  	s19 =	rddreg [dreg:$0x2];
	s4 =	sshll.u32 s0, $0xA;
	s5 =	sshll.u32 s25, $0x9  }
0x4: {  	s2 =	simm.s32 $0x0;
	s1 =	rddreg [dreg:$0x3];
	s20 =	sor.u32 s5, s4  }
0x5: {  	[smem:$0x7FF] =	sst s2;
	s4 =	sshrl.u32 s20, $0x3  }
0x6: {  	_ =	strace $0x80000047;
	s3 =	sadd.s32 s3, s4;
	s4 =	simm.s32 $0x4  }
0x7: {  	[tilespmem:s2], [sflag:$0x4] =	stream.linear.gather [hbm4b:s3+s2], $0x200, $0x38;
	[tilespmem:$0xC200] =	vst v63  }
0x8: {  	_ =	swait.ge [sflag:s4], $0x200  }
0x9: {  	s6 =	simm.s32 $0x80;
	[sflag:s4] =	ssyncset.done $0x0  }
0xa: {  	s7 =	simm.s32 $0x200;
	s5 =	sadd.s32 $0x24D400, s8;
	[sflag:s4] =	ssyncadd.s32 $0xFFFFFE00  }
0xb: {  	[tilespmem:s7], [sflag:$0x1] =	stream.indirect.gather [hbm4b:s5+s6], $0x20, s2, s6, $0xb8;
	[tilespmem:$0xC200] =	vst v63  }
0xc: {  	s9 =	simm.s32 $0x4200;
	s8 =	sadd.s32 $0x189E00, s8  }
0xd: {  	[tilespmem:s9], [sflag:$0x2] =	stream.indirect.gather [hbm4b:s8+s6], $0x40, s2, s6, $0xb8;
	[tilespmem:$0xC200] =	vst v63  }
0xe: {  	s10 =	simm.s32 $0x1200  }
0xf: {  	[tilespmem:s10], [sflag:$0x1] =	stream.indirect.gather [hbm4b:s5+s6], $0x20, s6, s6, $0xb8;
	[tilespmem:$0xC200] =	vst v63  }
0x10: {  	s11 =	simm.s32 $0x6200  }
0x11: {  	[tilespmem:s11], [sflag:$0x2] =	stream.indirect.gather [hbm4b:s8+s6], $0x40, s6, s6, $0xb8;
	[tilespmem:$0xC200] =	vst v63  }
0x12: {  	s12 =	simm.s32 $0x100;
	s13 =	simm.s32 $0x2200  }
0x13: {  	[tilespmem:s13], [sflag:$0x1] =	stream.indirect.gather [hbm4b:s5+s6], $0x20, s12, s6, $0xb8;
	[tilespmem:$0xC200] =	vst v63  }
0x14: {  	s14 =	simm.s32 $0x8200  }
0x15: {  	[tilespmem:s14], [sflag:$0x2] =	stream.indirect.gather [hbm4b:s8+s6], $0x40, s12, s6, $0xb8;
	[tilespmem:$0xC200] =	vst v63  }
0x16: {  	s15 =	simm.s32 $0x180;
	s16 =	simm.s32 $0x3200  }
0x17: {  	[tilespmem:s16], [sflag:$0x1] =	stream.indirect.gather [hbm4b:s5+s6], $0x20, s15, s6, $0xb8;
	[tilespmem:$0xC200] =	vst v63  }
0x18: {  	s17 =	simm.s32 $0xA200;
	s18 =	simm.s32 $0x1  }
0x19: {  	[tilespmem:s17], [sflag:$0x2] =	stream.indirect.gather [hbm4b:s8+s6], $0x40, s15, s6, $0xb8;
	[tilespmem:$0xC200] =	vst v63  }
0x1a: {  	_ =	swait.ge [sflag:s18], $0x1000  }
0x1b: {  	[sflag:s18] =	ssyncset.done $0x0  }
0x1c: {  	[sflag:s18] =	ssyncadd.s32 $0xFFFFF000  }
0x1d: {  	_ =	swait.ge [sflag:s18], $0x1000  }
0x1e: {  	[sflag:s18] =	ssyncset.done $0x0  }
0x1f: {  	[sflag:s18] =	ssyncadd.s32 $0xFFFFF000  }
0x20: {  	_ =	swait.ge [sflag:s18], $0x1000  }
0x21: {  	[sflag:s18] =	ssyncset.done $0x0  }
0x22: {  	[sflag:s18] =	ssyncadd.s32 $0xFFFFF000  }
0x23: {  	s20 =	smul.u32 $0xC, s20;
	_ =	swait.ge [sflag:s18], $0x1000  }
0x24: {  	s21 =	simm.s32 $0x60;
	s22 =	simm.s32 $0x2;
	[sflag:s18] =	ssyncset.done $0x0  }
0x25: {  	s19 =	sadd.s32 s19, s20;
	s20 =	simm.s32 $0x20;
	[sflag:s18] =	ssyncadd.s32 $0xFFFFF000  }
0x26: {  	[hbm4b:s19+s20] =	stream.strided.scatter [tilespmem:s7], [sflag:$0x3], $0x4000, s21, s20, $0x38;
	[tilespmem:$0xC200] =	vst v63  }
0x27: {  	_ =	swait.ge [sflag:s22], $0x2000  }
0x28: {  	[sflag:s22] =	ssyncset.done $0x0  }
0x29: {  	[sflag:s22] =	ssyncadd.s32 $0xFFFFE000  }
0x2a: {  	_ =	swait.ge [sflag:s22], $0x2000  }
0x2b: {  	[sflag:s22] =	ssyncset.done $0x0  }
0x2c: {  	[sflag:s22] =	ssyncadd.s32 $0xFFFFE000  }
0x2d: {  	_ =	swait.ge [sflag:s22], $0x2000  }
0x2e: {  	s26 =	ssub.s32 $0x2, s25;
	[sflag:s22] =	ssyncset.done $0x0  }
0x2f: {  	s28 =	sshrl.u32 s26, $0x1;
	[sflag:s22] =	ssyncadd.s32 $0xFFFFE000  }
0x30: {  	s24 =	simm.s32 $0x40;
	s26 =	ssub.s32 s26, s28;
	_ =	swait.ge [sflag:s22], $0x2000  }
0x31: {  	s25 =	simm.s32 $0x3;
	s26 =	smax.u32 s26, $0x1;
	[sflag:s22] =	ssyncset.done $0x0  }
0x32: {  	p0 =	sne.s32 s26, $0x1;
	s23 =	sadd.s32 $0x4, s19;
	[sflag:s22] =	ssyncadd.s32 $0xFFFFE000  }
0x33: {  	[hbm4b:s23+s24] =	stream.strided.scatter [tilespmem:s9], [sflag:$0x3], $0x8000, s21, s24, $0x38;
	[tilespmem:$0xC200] =	vst v63  }
.Ltmp0:
0x34: {  	_ =	swait.ge [sflag:s25], $0x4000;
	(pc) =	sbr.rel @!p0 .LBB2_2-.Ltmp0, $4  }
0x35: {  	[sflag:s25] =	ssyncset.done $0x0  }
0x36: {  	[sflag:s25] =	ssyncadd.s32 $0xFFFFC000  }
0x37: {  	_ =	swait.ge [sflag:s25], $0x8000  }
0x38: {  	s26 =	sadd.s32 $0xFFFFFFFF, s26;
	[sflag:s25] =	ssyncset.done $0x0  }
.LBB2_1:
0x39: {  	p0 =	sne.s32 s26, $0x1;
	s26 =	sadd.s32 $0xFFFFFFFF, s26;
	[sflag:s25] =	ssyncadd.s32 $0xFFFF8000  }
0x3a: {  	[tilespmem:s2], [sflag:$0x4] =	stream.linear.gather [hbm4b:s3+s2], $0x200, $0x38;
	[tilespmem:$0xC200] =	vst v63  }
0x3b: {  	_ =	swait.ge [sflag:s4], $0x200  }
0x3c: {  	[sflag:s4] =	ssyncset.done $0x0  }
0x3d: {  	[sflag:s4] =	ssyncadd.s32 $0xFFFFFE00  }
0x3e: {  	[tilespmem:s7], [sflag:$0x1] =	stream.indirect.gather [hbm4b:s5+s6], $0x20, s2, s6, $0xb8;
	[tilespmem:$0xC200] =	vst v63  }
0x3f: {  	_ = 	snop  }
0x40: {  	[tilespmem:s9], [sflag:$0x2] =	stream.indirect.gather [hbm4b:s8+s6], $0x40, s2, s6, $0xb8;
	[tilespmem:$0xC200] =	vst v63  }
0x41: {  	_ = 	snop  }
0x42: {  	[tilespmem:s10], [sflag:$0x1] =	stream.indirect.gather [hbm4b:s5+s6], $0x20, s6, s6, $0xb8;
	[tilespmem:$0xC200] =	vst v63  }
0x43: {  	_ = 	snop  }
0x44: {  	[tilespmem:s11], [sflag:$0x2] =	stream.indirect.gather [hbm4b:s8+s6], $0x40, s6, s6, $0xb8;
	[tilespmem:$0xC200] =	vst v63  }
0x45: {  	_ = 	snop  }
0x46: {  	[tilespmem:s13], [sflag:$0x1] =	stream.indirect.gather [hbm4b:s5+s6], $0x20, s12, s6, $0xb8;
	[tilespmem:$0xC200] =	vst v63  }
0x47: {  	_ = 	snop  }
0x48: {  	[tilespmem:s14], [sflag:$0x2] =	stream.indirect.gather [hbm4b:s8+s6], $0x40, s12, s6, $0xb8;
	[tilespmem:$0xC200] =	vst v63  }
0x49: {  	_ = 	snop  }
0x4a: {  	[tilespmem:s16], [sflag:$0x1] =	stream.indirect.gather [hbm4b:s5+s6], $0x20, s15, s6, $0xb8;
	[tilespmem:$0xC200] =	vst v63  }
0x4b: {  	_ = 	snop  }
0x4c: {  	[tilespmem:s17], [sflag:$0x2] =	stream.indirect.gather [hbm4b:s8+s6], $0x40, s15, s6, $0xb8;
	[tilespmem:$0xC200] =	vst v63  }
0x4d: {  	_ =	swait.ge [sflag:s18], $0x1000  }
0x4e: {  	[sflag:s18] =	ssyncset.done $0x0  }
0x4f: {  	[sflag:s18] =	ssyncadd.s32 $0xFFFFF000  }
0x50: {  	_ =	swait.ge [sflag:s18], $0x1000  }
0x51: {  	[sflag:s18] =	ssyncset.done $0x0  }
0x52: {  	[sflag:s18] =	ssyncadd.s32 $0xFFFFF000  }
0x53: {  	_ =	swait.ge [sflag:s18], $0x1000  }
0x54: {  	[sflag:s18] =	ssyncset.done $0x0  }
0x55: {  	[sflag:s18] =	ssyncadd.s32 $0xFFFFF000  }
0x56: {  	_ =	swait.ge [sflag:s18], $0x1000  }
0x57: {  	[sflag:s18] =	ssyncset.done $0x0  }
0x58: {  	[sflag:s18] =	ssyncadd.s32 $0xFFFFF000  }
0x59: {  	[hbm4b:s19+s20] =	stream.strided.scatter [tilespmem:s7], [sflag:$0x3], $0x4000, s21, s20, $0x38;
	[tilespmem:$0xC200] =	vst v63  }
0x5a: {  	_ =	swait.ge [sflag:s22], $0x2000  }
0x5b: {  	[sflag:s22] =	ssyncset.done $0x0  }
0x5c: {  	[sflag:s22] =	ssyncadd.s32 $0xFFFFE000  }
0x5d: {  	_ =	swait.ge [sflag:s22], $0x2000  }
0x5e: {  	[sflag:s22] =	ssyncset.done $0x0  }
0x5f: {  	[sflag:s22] =	ssyncadd.s32 $0xFFFFE000  }
0x60: {  	_ =	swait.ge [sflag:s22], $0x2000  }
0x61: {  	[sflag:s22] =	ssyncset.done $0x0  }
0x62: {  	[sflag:s22] =	ssyncadd.s32 $0xFFFFE000  }
0x63: {  	_ =	swait.ge [sflag:s22], $0x2000  }
0x64: {  	[sflag:s22] =	ssyncset.done $0x0  }
0x65: {  	[sflag:s22] =	ssyncadd.s32 $0xFFFFE000  }
0x66: {  	[hbm4b:s23+s24] =	stream.strided.scatter [tilespmem:s9], [sflag:$0x3], $0x8000, s21, s24, $0x38;
	[tilespmem:$0xC200] =	vst v63  }
.Ltmp1:
0x67: {  	_ =	swait.ge [sflag:s25], $0x4000;
	(pc) =	sbr.rel @p0 .LBB2_1-.Ltmp1, $4  }
0x68: {  	[sflag:s25] =	ssyncset.done $0x0  }
0x69: {  	[sflag:s25] =	ssyncadd.s32 $0xFFFFC000  }
0x6a: {  	_ =	swait.ge [sflag:s25], $0x8000  }
0x6b: {  	[sflag:s25] =	ssyncset.done $0x0  }
.LBB2_2:
0x6c: {  	[sflag:s25] =	ssyncadd.s32 $0xFFFF8000  }
0x6d: {  	_ =	sfence.sel $0x180000  }
0x6e: {  	[bflag:$0x0] =	sbarrier.arrive $0xFFFF  }
0x6f: {  	p0 =	sne.s32 s0, $0x0;
	_ =	strace $0x90000047  }
0x70: {  	s0 =	sadd.s32 @!p0 $0x100000, s1;
	[bflag:$0x2] =	sbarrier.arrive $0xFFFF  }
0x71: {  	[sflag:s0] =	ssyncadd.tile.s32 @!p0 $0x1;
	_ =	shalt  }
.Lfunc_end2:
_tile_overlayer_lowered:
.L_overlay_start_2:
0x72: {  	(tag) =	ssettag $0x2  }
0x73: {  	s0 =	rddreg [dreg:$0x0];
	s2 =	stileid.u32  }
0x74: {  	s1 =	rddreg [dreg:$0x1];
	p0 =	sne.s32 s2, $0x0  }
0x75: {  	s3 =	rddreg [dreg:$0x2];
	[bflag:$0x3] =	sbarrier.arrive $0xFFFF;
	s2 =	simm.s32 @!p0 $0x1C04  }
0x76: {  	[timem:s3], [sflag:s2] =	dma.local @!p0 [hbm:s0], s1  }
0x77: {  	s0 =	simm.s32 @!p0 $0x4  }
0x78: {  	_ =	swait.ge @!p0 [sflag:s0], s1  }
0x79: {  	s1 =	ssub.s32 @!p0 $0x0, s1;
	[sflag:s0] =	ssyncset.done @!p0 $0x0  }
0x7a: {  	[sflag:s0] =	ssyncadd.s32 @!p0 s1  }
0x7b: {  	[bflag:$0x3] =	sbarrier.arrive $0xFFFF  }
0x7c: {  	_ =	shalt  }

// kernel: kernel.7.cloned.1.call-start
scs
__scs_entry_jumppad:
0x0: {  	(pc) =	sbr.rel $0x88, $3  }
0x1: {  	(tag) =	ssettag $0x0;
	lr =	simm.s32 $0x1  }
0x2: {  	[smem:$0x3F9B] =	sst lr;
	_ =	strace $0xD0000000  }
0x3: {  	_ = 	snop  }
0x4: {  	_ = 	snop  }
0x5: {  	_ = 	snop  }
0x6: {  	_ = 	snop  }
0x7: {  	_ = 	snop  }
__scs_overlays_trampoline_lowered:
0x8: {  	[smem:$0x3FAA] =	sst s0  }
0x9: {  	[smem:$0x3FAB] =	sst s1  }
0xa: {  	[smem:$0x3FAC] =	sst s2  }
0xb: {  	[smem:$0x3FAD] =	sst s3  }
0xc: {  	[smem:$0x3FAE] =	sst s4  }
0xd: {  	[smem:$0x3FAF] =	sst s5  }
0xe: {  	[smem:$0x3FB0] =	sst s6  }
0xf: {  	[smem:$0x3FB1] =	sst s7  }
0x10: {  	[smem:$0x3FB2] =	sst s8  }
0x11: {  	[smem:$0x3FB3] =	sst s9;
	s0 =	simm.s32 @!p0 $0x0  }
0x12: {  	s1 =	sld [smem:$0x3F99];
	s0 =	simm.s32 @p0 $0x1  }
0x13: {  	[smem:$0x3FB4] =	sst s0;
	s0 =	simm.s32 @!p1 $0x0  }
0x14: {  	s2 =	sld [smem:$0x3F98];
	s0 =	simm.s32 @p1 $0x1  }
0x15: {  	[smem:$0x3FB5] =	sst s0;
	s0 =	simm.s32 @!p2 $0x0  }
0x16: {  	s3 =	sld [smem:$0x3FDB];
	s0 =	simm.s32 @p2 $0x1  }
0x17: {  	s4 =	simm.s32 $0x1BF5;
	[smem:$0x3FB7] =	sst s0  }
0x18: {  	s0 =	sld [smem:$0x3F9A];
	_ =	swait.ge [sflag:s4], $0x0  }
0x19: {  	s7 =	sld [smem:$0x3F9B]  }
0x1a: {  	s8 =	sadd.s32 $0xFFFFE003, lr  }
0x1b: {  	s9 =	sadd.s32 $0xFFFFFEF7, lr;
	s5 =	simm.s32 $0xFFFFFFFF;
	p2 =	slt.u32 s8, $0xFFFFF086  }
0x1c: {  	p1 =	slt.u32 s9, $0xF7A;
	s5 =	simm.s32 @!p2 $0x0  }
0x1d: {  	s5 =	simm.s32 @p1 $0x1;
	p0 =	seq.s32 s7, s2  }
0x1e: {  	s7 =	smul.u32 @!p0 $0xF7A, s2;
	p2 =	seq.s32 @!p0 s5, $0x0  }
0x1f: {  	s9 =	smul.u32 $0xF7A, s1;
	s8 =	simm.s32 @!p0 $0x1BF5;
	p2 =	por !p2, p0  }
0x20: {  	[sflag:s8] =	ssyncset.s32 @!p0 $0xFFFFF086;
	s6 =	sadd.s32 @!p0 s3, s7;
	s7 =	simm.s32 @!p0 $0x108  }
0x21: {  	s3 =	sadd.s32 s3, s9;
	s6 =	sadd.s32 @!p0 $0x88, s6;
	s7 =	simm.s32 @p2 $0x1082  }
0x22: {  	[simem:s7], [sflag:s8] =	dma.local @!p0 [hbm:s6], $0xF7A  }
0x23: {  	s9 =	sor.u32 $0xD0000000, s2;
	s6 =	simm.s32 $0x108;
	_ =	swait.ge @!p0 [sflag:s8], $0x0  }
0x24: {  	s3 =	sadd.s32 $0x88, s3;
	s6 =	simm.s32 @!p1 $0x1082;
	[sflag:s4] =	ssyncset.s32 $0xFFFFF086  }
0x25: {  	[simem:s6], [sflag:s4] =	dma.local [hbm:s3], $0xF7A  }
0x26: {  	[smem:$0x3F9B] =	sst s1;
	(tag) =	ssettag s2;
	_ =	strace s9  }
0x27: {  	s1 =	sld [smem:$0x3FAB]  }
0x28: {  	s2 =	sld [smem:$0x3FAC]  }
0x29: {  	s4 =	sld [smem:$0x3FAE]  }
0x2a: {  	p0 =	seq.s32 s5, $0x0;
	s5 =	sld [smem:$0x3FAF]  }
0x2b: {  	s6 =	sld [smem:$0x3FB0]  }
0x2c: {  	s7 =	sld [smem:$0x3FB1]  }
0x2d: {  	s3 =	simm.s32 $0x108;
	s8 =	sld [smem:$0x3FB2]  }
0x2e: {  	s3 =	simm.s32 @!p0 $0x1082;
	s9 =	sld [smem:$0x3FB3]  }
0x2f: {  	lr =	sadd.s32 s0, s3;
	s0 =	sld [smem:$0x3FAA]  }
0x30: {  	s3 =	sld [smem:$0x3FAD]  }
0x31: {  	[smem:$0x3FB6] =	sst s10  }
0x32: {  	s10 =	sld [smem:$0x3FB4];
	_ =	sdelay $0x3  }
0x33: {  	p0 =	seq.s32 s10, $0x1;
	s10 =	sld [smem:$0x3FB6];
	_ =	sdelay $0x3  }
0x34: {  	[smem:$0x3FB6] =	sst s10  }
0x35: {  	s10 =	sld [smem:$0x3FB5];
	_ =	sdelay $0x3  }
0x36: {  	p1 =	seq.s32 s10, $0x1;
	s10 =	sld [smem:$0x3FB6];
	_ =	sdelay $0x3  }
0x37: {  	[smem:$0x3FB6] =	sst s10  }
0x38: {  	s10 =	sld [smem:$0x3FB7]  }
0x39: {  	_ = 	snop;
	(pc) =	sbr.ind lr, $3  }
0x3a: {  	_ = 	snop  }
0x3b: {  	_ = 	snop  }
0x3c: {  	p2 =	seq.s32 s10, $0x1;
	s10 =	sld [smem:$0x3FB6]  }
0x3d: {  	_ =	shalt  }
0x3e: {  	_ =	shalt  }
0x3f: {  	_ =	shalt  }
0x40: {  	_ =	shalt  }
0x41: {  	_ =	shalt  }
0x42: {  	_ =	shalt  }
0x43: {  	_ =	shalt  }
0x44: {  	_ =	shalt  }
0x45: {  	_ =	shalt  }
0x46: {  	_ =	shalt  }
0x47: {  	_ =	shalt  }
0x48: {  	_ =	shalt  }
0x49: {  	_ =	shalt  }
0x4a: {  	_ =	shalt  }
0x4b: {  	_ =	shalt  }
0x4c: {  	_ =	shalt  }
0x4d: {  	_ =	shalt  }
0x4e: {  	_ =	shalt  }
0x4f: {  	_ =	shalt  }
0x50: {  	_ =	shalt  }
0x51: {  	_ =	shalt  }
0x52: {  	_ =	shalt  }
0x53: {  	_ =	shalt  }
0x54: {  	_ =	shalt  }
0x55: {  	_ =	shalt  }
0x56: {  	_ =	shalt  }
0x57: {  	_ =	shalt  }
0x58: {  	_ =	shalt  }
0x59: {  	_ =	shalt  }
0x5a: {  	_ =	shalt  }
0x5b: {  	_ =	shalt  }
0x5c: {  	_ =	shalt  }
0x5d: {  	_ =	shalt  }
0x5e: {  	_ =	shalt  }
0x5f: {  	_ =	shalt  }
0x60: {  	_ =	shalt  }
0x61: {  	_ =	shalt  }
0x62: {  	_ =	shalt  }
0x63: {  	_ =	shalt  }
0x64: {  	_ =	shalt  }
0x65: {  	_ =	shalt  }
0x66: {  	_ =	shalt  }
0x67: {  	_ =	shalt  }
0x68: {  	_ =	shalt  }
0x69: {  	_ =	shalt  }
0x6a: {  	_ =	shalt  }
0x6b: {  	_ =	shalt  }
0x6c: {  	_ =	shalt  }
0x6d: {  	_ =	shalt  }
0x6e: {  	_ =	shalt  }
0x6f: {  	_ =	shalt  }
0x70: {  	_ =	shalt  }
0x71: {  	_ =	shalt  }
0x72: {  	_ =	shalt  }
0x73: {  	_ =	shalt  }
0x74: {  	_ =	shalt  }
0x75: {  	_ =	shalt  }
0x76: {  	_ =	shalt  }
0x77: {  	_ =	shalt  }
0x78: {  	_ =	shalt  }
0x79: {  	_ =	shalt  }
0x7a: {  	_ =	shalt  }
0x7b: {  	_ =	shalt  }
0x7c: {  	_ =	shalt  }
0x7d: {  	_ =	shalt  }
0x7e: {  	_ =	shalt  }
0x7f: {  	_ =	shalt  }
0x80: {  	_ =	shalt  }
0x81: {  	_ =	shalt  }
0x82: {  	_ =	shalt  }
0x83: {  	_ =	shalt  }
0x84: {  	_ =	shalt  }
0x85: {  	_ =	shalt  }
0x86: {  	_ =	shalt  }
0x87: {  	_ =	shalt  }
.Lfunc_end0:
.L_simem_size_0:
called_computation.1_lowered:
.L_overlay_start_0:
0x88: {  	s2 =	sld [smem:$0x3FD9]  }
0x89: {  	s3 =	sld [smem:$0x3FFE];
	_ =	sdelay $0x1  }
0x8a: {  	s1 =	srdreg.scid  }
0x8b: {  	s0 =	sand.u32 $0x1, s1  }
0x8c: {  	s15 =	sshll.u32 s0, $0xA;
	s2 =	sadd.s32 s3, s2  }
0x8d: {  	s2 =	sadd.s32 s2, s15  }
0x8e: {  	[smem:$0x3FC2] =	sst s2  }
0x8f: {  	_ = 	snop  }
0x90: {  	s16 =	sld [smem:$0x3FD0];
	_ =	sdelay $0x2  }
0x91: {  	s4 =	simm.s32 $0xB;
	s5 =	simm.s32 $0x10;
	s2 =	sld [smem:$0x3FC4]  }
0x92: {  	[smem:s5], [sflag:s4] =	dma.local [hbm:s16], $0x1  }
0x93: {  	_ =	swait.eq [sflag:s4], $0x1  }
0x94: {  	[sflag:s4] =	ssyncset.done $0x0  }
0x95: {  	[sflag:s4] =	ssyncadd.s32 $0xFFFFFFFF  }
0x96: {  	s17 =	sld [smem:$0x11];
	(tm) =	ssettm $0x1  }
0x97: {  	s18 =	sld [smem:$0x3FFB];
	_ =	sdelay $0x3  }
0x98: {  	_ =	strace s18  }
0x99: {  	s3 =	sld [smem:$0x3FFC];
	_ =	sdelay $0x3  }
0x9a: {  	_ =	strace s3  }
0x9b: {  	s3 =	sld [smem:$0x3FFD];
	_ =	sdelay $0x3  }
0x9c: {  	_ =	strace s3  }
0x9d: {  	_ =	strace $0x8FFFFFFF  }
0x9e: {  	s19 =	sld [smem:$0x3FDB];
	_ =	sdelay $0x1  }
0x9f: {  	s20 =	simm.s32 $_scs_section_size  }
0xa0: {  	s6 =	simm.s32 $_size__tile_overlayer_lowered;
	s7 =	simm.s32 $_tile_overlayer_lowered  }
0xa1: {  	s8 =	simm.s32 $0x1BFF;
	s21 =	sshll.u32 s7, $0x1;
	s5 =	sadd.s32 s20, s19  }
0xa2: {  	s22 =	simm.s32 $0x0;
	s6 =	sshll.u32 s6, $0x1;
	s7 =	sadd.s32 s21, s5  }
0xa3: {  	[timem:s22], [sflag:s8] =	dma.local [hbm:s7], s6  }
0xa4: {  	_ =	swait.ge [sflag:s8], s6  }
0xa5: {  	s6 =	ssub.s32 $0x0, s6;
	[sflag:s8] =	ssyncset.done $0x0  }
0xa6: {  	[sflag:s8] =	ssyncadd.s32 s6;
	_ =	sdelay $0x1  }
0xa7: {  	s23 =	simm.s32 $0x1B8B  }
0xa8: {  	_ =	swait.ge [sflag:s23], $0x1  }
0xa9: {  	[sflag:s23] =	ssyncset.done $0x0  }
0xaa: {  	[sflag:s23] =	ssyncadd.s32 $0xFFFFFFFF  }
0xab: {  	s6 =	sld [smem:$0x0]  }
0xac: {  	s7 =	sand.u32 $0xFFFFFFFE, s1  }
0xad: {  	p0 =	sne.s32 s1, s7  }
0xae: {  	s7 =	sshll.u32 @p0 s7, $0xE  }
0xaf: {  	s7 =	sadd.s32 @p0 $0x11B8D, s7;
	s8 =	sshll.u32 @p0 s6, $0x11  }
0xb0: {  	s7 =	sor.u32 @p0 s8, s7  }
0xb1: {  	[sflag:s7] =	ssyncadd.remote.s32 @p0 $0x1;
	_ =	sdelay $0x1  }
0xb2: {  	s7 =	simm.s32 @p0 $0x1B8D  }
0xb3: {  	_ =	swait.eq @p0 [sflag:s7], $0x1  }
0xb4: {  	[sflag:s7] =	ssyncadd.s32 @p0 $0xFFFFFFFF  }
0xb5: {  	s8 =	sshll.u32 @!p0 s1, $0xE  }
0xb6: {  	s8 =	sor.u32 @!p0 $0x4000, s8;
	s7 =	simm.s32 @!p0 $0x1B8D  }
0xb7: {  	s6 =	sshll.u32 @!p0 s6, $0x11;
	s8 =	sadd.s32 @!p0 $0x11B8D, s8;
	_ =	swait.eq @!p0 [sflag:s7], $0x1  }
0xb8: {  	s6 =	sor.u32 @!p0 s6, s8;
	[sflag:s7] =	ssyncadd.s32 @!p0 $0xFFFFFFFF  }
0xb9: {  	s25 =	simm.s32 $0x1B8E;
	s24 =	sld [smem:$0x3FFE];
	[sflag:s6] =	ssyncadd.remote.s32 @!p0 $0x1  }
0xba: {  	s26 =	simm.s32 $execute0_lowered;
	[smem:$0x3FD2] =	sst s25  }
0xbb: {  	s7 =	sshll.u32 s26, $0x1;
	_ =	strace $0x80000049;
	[dreg:$0x1] =	wrdreg $0xFFFFFFFF  }
0xbc: {  	s28 =	simm.s32 $_size_execute0_lowered;
	s5 =	sadd.s32 s5, s7;
	[dreg:$0x0] =	wrdreg $0x0  }
0xbd: {  	s7 =	sshll.u32 s28, $0x1;
	[dreg:$0x2] =	wrdreg s5  }
0xbe: {  	[dreg:$0x3] =	wrdreg s7  }
0xbf: {  	[dreg:$0x4] =	wrdreg $0xC0  }
0xc0: {  	_ =	task [dreg:s22], $0x5FFFF  }
0xc1: {  	[dreg:$0x1] =	wrdreg $0xFFFFFFFF  }
0xc2: {  	[dreg:$0x0] =	wrdreg $0x60  }
0xc3: {  	[dreg:$0x2] =	wrdreg s24  }
0xc4: {  	[dreg:$0x3] =	wrdreg s2  }
0xc5: {  	[dreg:$0x4] =	wrdreg s17  }
0xc6: {  	[dreg:$0x5] =	wrdreg $0xA  }
0xc7: {  	_ =	task.clear_ibuf [dreg:s22], $0x6FFFF;
	_ =	strace $0x90000049  }
0xc8: {  	s29 =	simm.s32 $0xA;
	_ =	strace $0x8000004B  }
0xc9: {  	_ =	swait.ge [sflag:s29], $0x1  }
0xca: {  	[sflag:s29] =	ssyncadd.s32 $0xFFFFFFFF  }
0xcb: {  	_ =	strace $0x9000004B  }
0xcc: {  	_ =	sfence  }
0xcd: {  	s30 =	sld [smem:$0x0];
	_ =	sdelay $0x2  }
0xce: {  	s31 =	sshll.u32 s1, $0xD;
	s1 =	sshrl.u32 s1, $0x2  }
0xcf: {  	s4 =	sand.u32 $0x4000, s31;
	s1 =	sadd.s32 s1, s30  }
0xd0: {  	s0 =	sor.u32 s4, s0;
	s1 =	sshll.u32 s1, $0x11  }
0xd1: {  	s0 =	sor.u32 s1, s0  }
0xd2: {  	s0 =	sadd.s32 $0x8F2B, s0  }
0xd3: {  	[sflag:s0] =	ssyncadd.remote.s32 $0x1  }
0xd4: {  	_ =	sfence.sel $0xFFFF  }
0xd5: {  	[dreg:$0x0] =	wrdreg $0xFFFFFFFF;
	(pc) =	sbr.abs _section_cstart, $3  }
0xd6: {  	[dreg:$0x1] =	wrdreg $0xFFFFFFFF  }
0xd7: {  	_ =	task.clear_ibuf [dreg:s22], $0x2FFFF;
	_ =	strace $0x9FFFFFFF  }
0xd8: {  	(tm) =	ssettm $0x7FFFFFFF  }
0xd9: {  	_ =	shalt  }
tec
execute0_lowered:
.L_overlay_start_1:
0x0: {  	(tag) =	ssettag $0x1  }
0x1: {  	s8 =	rddreg [dreg:$0x0];
	s1 =	srdreg.scid  }
0x2: {  	s3 =	rddreg [dreg:$0x1];
	s0 =	stileid.u32;
	s25 =	sand.u32 $0x1, s1  }
0x3: {  	s19 =	rddreg [dreg:$0x2];
	s4 =	sshll.u32 s0, $0xA;
	s5 =	sshll.u32 s25, $0x9  }
0x4: {  	s2 =	simm.s32 $0x0;
	s1 =	rddreg [dreg:$0x3];
	s20 =	sor.u32 s5, s4  }
0x5: {  	[smem:$0x7FF] =	sst s2;
	s4 =	sshrl.u32 s20, $0x3  }
0x6: {  	_ =	strace $0x8000004A;
	s3 =	sadd.s32 s3, s4;
	s4 =	simm.s32 $0x4  }
0x7: {  	[tilespmem:s2], [sflag:$0x4] =	stream.linear.gather [hbm4b:s3+s2], $0x200, $0x38;
	[tilespmem:$0xC200] =	vst v63  }
0x8: {  	_ =	swait.ge [sflag:s4], $0x200  }
0x9: {  	s6 =	simm.s32 $0x80;
	[sflag:s4] =	ssyncset.done $0x0  }
0xa: {  	s7 =	simm.s32 $0x200;
	s5 =	sadd.s32 $0x372600, s8;
	[sflag:s4] =	ssyncadd.s32 $0xFFFFFE00  }
0xb: {  	[tilespmem:s7], [sflag:$0x1] =	stream.indirect.gather [hbm4b:s5+s6], $0x20, s2, s6, $0xb8;
	[tilespmem:$0xC200] =	vst v63  }
0xc: {  	s9 =	simm.s32 $0x4200;
	s8 =	sadd.s32 $0x2AF000, s8  }
0xd: {  	[tilespmem:s9], [sflag:$0x2] =	stream.indirect.gather [hbm4b:s8+s6], $0x40, s2, s6, $0xb8;
	[tilespmem:$0xC200] =	vst v63  }
0xe: {  	s10 =	simm.s32 $0x1200  }
0xf: {  	[tilespmem:s10], [sflag:$0x1] =	stream.indirect.gather [hbm4b:s5+s6], $0x20, s6, s6, $0xb8;
	[tilespmem:$0xC200] =	vst v63  }
0x10: {  	s11 =	simm.s32 $0x6200  }
0x11: {  	[tilespmem:s11], [sflag:$0x2] =	stream.indirect.gather [hbm4b:s8+s6], $0x40, s6, s6, $0xb8;
	[tilespmem:$0xC200] =	vst v63  }
0x12: {  	s12 =	simm.s32 $0x100;
	s13 =	simm.s32 $0x2200  }
0x13: {  	[tilespmem:s13], [sflag:$0x1] =	stream.indirect.gather [hbm4b:s5+s6], $0x20, s12, s6, $0xb8;
	[tilespmem:$0xC200] =	vst v63  }
0x14: {  	s14 =	simm.s32 $0x8200  }
0x15: {  	[tilespmem:s14], [sflag:$0x2] =	stream.indirect.gather [hbm4b:s8+s6], $0x40, s12, s6, $0xb8;
	[tilespmem:$0xC200] =	vst v63  }
0x16: {  	s15 =	simm.s32 $0x180;
	s16 =	simm.s32 $0x3200  }
0x17: {  	[tilespmem:s16], [sflag:$0x1] =	stream.indirect.gather [hbm4b:s5+s6], $0x20, s15, s6, $0xb8;
	[tilespmem:$0xC200] =	vst v63  }
0x18: {  	s17 =	simm.s32 $0xA200;
	s18 =	simm.s32 $0x1  }
0x19: {  	[tilespmem:s17], [sflag:$0x2] =	stream.indirect.gather [hbm4b:s8+s6], $0x40, s15, s6, $0xb8;
	[tilespmem:$0xC200] =	vst v63  }
0x1a: {  	_ =	swait.ge [sflag:s18], $0x1000  }
0x1b: {  	[sflag:s18] =	ssyncset.done $0x0  }
0x1c: {  	[sflag:s18] =	ssyncadd.s32 $0xFFFFF000  }
0x1d: {  	_ =	swait.ge [sflag:s18], $0x1000  }
0x1e: {  	[sflag:s18] =	ssyncset.done $0x0  }
0x1f: {  	[sflag:s18] =	ssyncadd.s32 $0xFFFFF000  }
0x20: {  	_ =	swait.ge [sflag:s18], $0x1000  }
0x21: {  	[sflag:s18] =	ssyncset.done $0x0  }
0x22: {  	[sflag:s18] =	ssyncadd.s32 $0xFFFFF000  }
0x23: {  	s20 =	smul.u32 $0xC, s20;
	_ =	swait.ge [sflag:s18], $0x1000  }
0x24: {  	s21 =	simm.s32 $0x60;
	s22 =	simm.s32 $0x2;
	[sflag:s18] =	ssyncset.done $0x0  }
0x25: {  	s19 =	sadd.s32 s19, s20;
	s20 =	simm.s32 $0x20;
	[sflag:s18] =	ssyncadd.s32 $0xFFFFF000  }
0x26: {  	[hbm4b:s19+s20] =	stream.strided.scatter [tilespmem:s7], [sflag:$0x3], $0x4000, s21, s20, $0x38;
	[tilespmem:$0xC200] =	vst v63  }
0x27: {  	_ =	swait.ge [sflag:s22], $0x2000  }
0x28: {  	[sflag:s22] =	ssyncset.done $0x0  }
0x29: {  	[sflag:s22] =	ssyncadd.s32 $0xFFFFE000  }
0x2a: {  	_ =	swait.ge [sflag:s22], $0x2000  }
0x2b: {  	[sflag:s22] =	ssyncset.done $0x0  }
0x2c: {  	[sflag:s22] =	ssyncadd.s32 $0xFFFFE000  }
0x2d: {  	_ =	swait.ge [sflag:s22], $0x2000  }
0x2e: {  	s26 =	ssub.s32 $0x2, s25;
	[sflag:s22] =	ssyncset.done $0x0  }
0x2f: {  	s28 =	sshrl.u32 s26, $0x1;
	[sflag:s22] =	ssyncadd.s32 $0xFFFFE000  }
0x30: {  	s24 =	simm.s32 $0x40;
	s26 =	ssub.s32 s26, s28;
	_ =	swait.ge [sflag:s22], $0x2000  }
0x31: {  	s25 =	simm.s32 $0x3;
	s26 =	smax.u32 s26, $0x1;
	[sflag:s22] =	ssyncset.done $0x0  }
0x32: {  	p0 =	sne.s32 s26, $0x1;
	s23 =	sadd.s32 $0x4, s19;
	[sflag:s22] =	ssyncadd.s32 $0xFFFFE000  }
0x33: {  	[hbm4b:s23+s24] =	stream.strided.scatter [tilespmem:s9], [sflag:$0x3], $0x8000, s21, s24, $0x38;
	[tilespmem:$0xC200] =	vst v63  }
.Ltmp0:
0x34: {  	_ =	swait.ge [sflag:s25], $0x4000;
	(pc) =	sbr.rel @!p0 .LBB2_2-.Ltmp0, $4  }
0x35: {  	[sflag:s25] =	ssyncset.done $0x0  }
0x36: {  	[sflag:s25] =	ssyncadd.s32 $0xFFFFC000  }
0x37: {  	_ =	swait.ge [sflag:s25], $0x8000  }
0x38: {  	s26 =	sadd.s32 $0xFFFFFFFF, s26;
	[sflag:s25] =	ssyncset.done $0x0  }
.LBB2_1:
0x39: {  	p0 =	sne.s32 s26, $0x1;
	s26 =	sadd.s32 $0xFFFFFFFF, s26;
	[sflag:s25] =	ssyncadd.s32 $0xFFFF8000  }
0x3a: {  	[tilespmem:s2], [sflag:$0x4] =	stream.linear.gather [hbm4b:s3+s2], $0x200, $0x38;
	[tilespmem:$0xC200] =	vst v63  }
0x3b: {  	_ =	swait.ge [sflag:s4], $0x200  }
0x3c: {  	[sflag:s4] =	ssyncset.done $0x0  }
0x3d: {  	[sflag:s4] =	ssyncadd.s32 $0xFFFFFE00  }
0x3e: {  	[tilespmem:s7], [sflag:$0x1] =	stream.indirect.gather [hbm4b:s5+s6], $0x20, s2, s6, $0xb8;
	[tilespmem:$0xC200] =	vst v63  }
0x3f: {  	_ = 	snop  }
0x40: {  	[tilespmem:s9], [sflag:$0x2] =	stream.indirect.gather [hbm4b:s8+s6], $0x40, s2, s6, $0xb8;
	[tilespmem:$0xC200] =	vst v63  }
0x41: {  	_ = 	snop  }
0x42: {  	[tilespmem:s10], [sflag:$0x1] =	stream.indirect.gather [hbm4b:s5+s6], $0x20, s6, s6, $0xb8;
	[tilespmem:$0xC200] =	vst v63  }
0x43: {  	_ = 	snop  }
0x44: {  	[tilespmem:s11], [sflag:$0x2] =	stream.indirect.gather [hbm4b:s8+s6], $0x40, s6, s6, $0xb8;
	[tilespmem:$0xC200] =	vst v63  }
0x45: {  	_ = 	snop  }
0x46: {  	[tilespmem:s13], [sflag:$0x1] =	stream.indirect.gather [hbm4b:s5+s6], $0x20, s12, s6, $0xb8;
	[tilespmem:$0xC200] =	vst v63  }
0x47: {  	_ = 	snop  }
0x48: {  	[tilespmem:s14], [sflag:$0x2] =	stream.indirect.gather [hbm4b:s8+s6], $0x40, s12, s6, $0xb8;
	[tilespmem:$0xC200] =	vst v63  }
0x49: {  	_ = 	snop  }
0x4a: {  	[tilespmem:s16], [sflag:$0x1] =	stream.indirect.gather [hbm4b:s5+s6], $0x20, s15, s6, $0xb8;
	[tilespmem:$0xC200] =	vst v63  }
0x4b: {  	_ = 	snop  }
0x4c: {  	[tilespmem:s17], [sflag:$0x2] =	stream.indirect.gather [hbm4b:s8+s6], $0x40, s15, s6, $0xb8;
	[tilespmem:$0xC200] =	vst v63  }
0x4d: {  	_ =	swait.ge [sflag:s18], $0x1000  }
0x4e: {  	[sflag:s18] =	ssyncset.done $0x0  }
0x4f: {  	[sflag:s18] =	ssyncadd.s32 $0xFFFFF000  }
0x50: {  	_ =	swait.ge [sflag:s18], $0x1000  }
0x51: {  	[sflag:s18] =	ssyncset.done $0x0  }
0x52: {  	[sflag:s18] =	ssyncadd.s32 $0xFFFFF000  }
0x53: {  	_ =	swait.ge [sflag:s18], $0x1000  }
0x54: {  	[sflag:s18] =	ssyncset.done $0x0  }
0x55: {  	[sflag:s18] =	ssyncadd.s32 $0xFFFFF000  }
0x56: {  	_ =	swait.ge [sflag:s18], $0x1000  }
0x57: {  	[sflag:s18] =	ssyncset.done $0x0  }
0x58: {  	[sflag:s18] =	ssyncadd.s32 $0xFFFFF000  }
0x59: {  	[hbm4b:s19+s20] =	stream.strided.scatter [tilespmem:s7], [sflag:$0x3], $0x4000, s21, s20, $0x38;
	[tilespmem:$0xC200] =	vst v63  }
0x5a: {  	_ =	swait.ge [sflag:s22], $0x2000  }
0x5b: {  	[sflag:s22] =	ssyncset.done $0x0  }
0x5c: {  	[sflag:s22] =	ssyncadd.s32 $0xFFFFE000  }
0x5d: {  	_ =	swait.ge [sflag:s22], $0x2000  }
0x5e: {  	[sflag:s22] =	ssyncset.done $0x0  }
0x5f: {  	[sflag:s22] =	ssyncadd.s32 $0xFFFFE000  }
0x60: {  	_ =	swait.ge [sflag:s22], $0x2000  }
0x61: {  	[sflag:s22] =	ssyncset.done $0x0  }
0x62: {  	[sflag:s22] =	ssyncadd.s32 $0xFFFFE000  }
0x63: {  	_ =	swait.ge [sflag:s22], $0x2000  }
0x64: {  	[sflag:s22] =	ssyncset.done $0x0  }
0x65: {  	[sflag:s22] =	ssyncadd.s32 $0xFFFFE000  }
0x66: {  	[hbm4b:s23+s24] =	stream.strided.scatter [tilespmem:s9], [sflag:$0x3], $0x8000, s21, s24, $0x38;
	[tilespmem:$0xC200] =	vst v63  }
.Ltmp1:
0x67: {  	_ =	swait.ge [sflag:s25], $0x4000;
	(pc) =	sbr.rel @p0 .LBB2_1-.Ltmp1, $4  }
0x68: {  	[sflag:s25] =	ssyncset.done $0x0  }
0x69: {  	[sflag:s25] =	ssyncadd.s32 $0xFFFFC000  }
0x6a: {  	_ =	swait.ge [sflag:s25], $0x8000  }
0x6b: {  	[sflag:s25] =	ssyncset.done $0x0  }
.LBB2_2:
0x6c: {  	[sflag:s25] =	ssyncadd.s32 $0xFFFF8000  }
0x6d: {  	_ =	sfence.sel $0x180000  }
0x6e: {  	[bflag:$0x0] =	sbarrier.arrive $0xFFFF  }
0x6f: {  	p0 =	sne.s32 s0, $0x0;
	_ =	strace $0x9000004A  }
0x70: {  	s0 =	sadd.s32 @!p0 $0x100000, s1;
	[bflag:$0x2] =	sbarrier.arrive $0xFFFF  }
0x71: {  	[sflag:s0] =	ssyncadd.tile.s32 @!p0 $0x1;
	_ =	shalt  }
.Lfunc_end2:
_tile_overlayer_lowered:
.L_overlay_start_2:
0x72: {  	(tag) =	ssettag $0x2  }
0x73: {  	s0 =	rddreg [dreg:$0x0];
	s2 =	stileid.u32  }
0x74: {  	s1 =	rddreg [dreg:$0x1];
	p0 =	sne.s32 s2, $0x0  }
0x75: {  	s3 =	rddreg [dreg:$0x2];
	[bflag:$0x3] =	sbarrier.arrive $0xFFFF;
	s2 =	simm.s32 @!p0 $0x1C04  }
0x76: {  	[timem:s3], [sflag:s2] =	dma.local @!p0 [hbm:s0], s1  }
0x77: {  	s0 =	simm.s32 @!p0 $0x4  }
0x78: {  	_ =	swait.ge @!p0 [sflag:s0], s1  }
0x79: {  	s1 =	ssub.s32 @!p0 $0x0, s1;
	[sflag:s0] =	ssyncset.done @!p0 $0x0  }
0x7a: {  	[sflag:s0] =	ssyncadd.s32 @!p0 s1  }
0x7b: {  	[bflag:$0x3] =	sbarrier.arrive $0xFFFF  }
0x7c: {  	_ =	shalt  }

</sc_bundles>
